<compile_context>
chip_gen: v7x
topology: tpu7x:2x2x1
jax: 0.10.2.dev20260603
libtpu: 0.0.44.dev20260713+nightly
codegen_flags: <defaults>
</compile_context>

<pallas_src>
import functools

import jax
import jax.numpy as jnp
from jax import lax
from jax.experimental import pallas as pl
from jax.experimental.pallas import tpu as pltpu
from jax.experimental.pallas import tpu_sc as plsc

_NBUF = 4
_PD = 3
_GD = 2


def _build_retile_kernel(V, D):
    info = plsc.get_sparse_core_info()
    NC, NS, LN = info.num_cores, info.num_subcores, info.num_lanes
    NW = NC * NS
    assert D % LN == 0 and LN == 16
    CU = 128
    n_units = V // CU
    rem = V - n_units * CU
    main_iters = n_units // NW
    n_extra = n_units - main_iters * NW
    assert rem % 2 == 0 and (rem // 2) % 8 == 0

    mesh = plsc.VectorSubcoreMesh(core_axis_name="c", subcore_axis_name="s")

    @functools.partial(
        pl.kernel,
        out_type=jax.ShapeDtypeStruct((V // 2, 2 * D), jnp.float32),
        mesh=mesh,
        scratch_types=[
            [pltpu.VMEM((D, CU), jnp.float32) for _ in range(2)],
            [pltpu.VMEM((CU // 2, 2 * D), jnp.float32) for _ in range(2)],
            pltpu.SemaphoreType.DMA((2,)),
            pltpu.SemaphoreType.DMA((2,)),
        ],
        compiler_params=pltpu.CompilerParams(
            use_tc_tiling_on_sc=True, needs_layout_passes=False),
    )
    def retile(tT_hbm, tail_hbm, out_hbm, inb, outb, sem_i, sem_o):
        wid = lax.axis_index("s") * NC + lax.axis_index("c")

        d_iota = lax.iota(jnp.int32, 16)
        d_consts = [d_iota + cg * 16 for cg in range(D // 16)]

        if rem:
            @pl.when(wid == NW - 1)
            def _tail():
                pltpu.sync_copy(tail_hbm, outb[1].at[pl.ds(0, rem // 2)])
                pltpu.sync_copy(
                    outb[1].at[pl.ds(0, rem // 2)],
                    out_hbm.at[pl.ds(n_units * (CU // 2), rem // 2)])

        def start_in(k, b):
            u = k * NW + wid
            pltpu.async_copy(
                tT_hbm.at[:, pl.ds(u * CU, CU)], inb[b], sem_i.at[b])

        def wait_in(b):
            pltpu.make_async_copy(
                tT_hbm.at[:, pl.ds(0, CU)], inb[b], sem_i.at[b]).wait()

        def transpose(n_rows, src, dst):
            @pl.loop(0, n_rows)
            def _rows(j):
                for half in range(2):
                    v_idx = jnp.full((16,), 2 * j + half, jnp.int32)
                    for cg in range(D // 16):
                        val = plsc.load_gather(src, [d_consts[cg], v_idx])
                        dst[j, pl.ds(half * D + cg * 16, 16)] = val

        def start_out(k, b):
            u = k * NW + wid
            pltpu.async_copy(
                outb[b], out_hbm.at[pl.ds(u * (CU // 2), CU // 2)],
                sem_o.at[b])

        def wait_out(b):
            pltpu.make_async_copy(
                outb[b], out_hbm.at[pl.ds(0, CU // 2)], sem_o.at[b]).wait()

        start_in(0, 0)

        @pl.loop(0, main_iters)
        def _main(k):
            b = lax.rem(k, 2)
            for bb in range(2):
                @pl.when(b == bb)
                def _body():
                    wait_in(bb)

                    @pl.when(k + 1 < main_iters)
                    def _next_in():
                        start_in(k + 1, 1 - bb)

                    @pl.when(k >= 2)
                    def _drain_out():
                        wait_out(bb)

                    transpose(CU // 2, inb[bb], outb[bb])
                    start_out(k, bb)

        for k in (main_iters - 2, main_iters - 1):
            wait_out(k % 2)

        if n_extra:
            @pl.when(wid < n_extra)
            def _extra_full():
                u = main_iters * NW + wid
                pltpu.sync_copy(tT_hbm.at[:, pl.ds(u * CU, CU)], inb[0])
                transpose(CU // 2, inb[0], outb[0])
                pltpu.sync_copy(
                    outb[0], out_hbm.at[pl.ds(u * (CU // 2), CU // 2)])

    return retile


def _build_gather_kernel(B, L, V, D):
    info = plsc.get_sparse_core_info()
    NC, NS = info.num_cores, info.num_subcores
    NW = NC * NS
    assert B % (NW * _NBUF) == 0, (B, NW)
    seqs_per_w = B // NW
    rows_per_w = seqs_per_w * L
    nchunks = seqs_per_w
    DP = 128

    splits = []
    o = 0
    while o < L:
        n = min(128, L - o)
        splits.append((o, n))
        o += n

    mesh = plsc.VectorSubcoreMesh(core_axis_name="c", subcore_axis_name="s")

    @functools.partial(
        pl.kernel,
        out_type=jax.ShapeDtypeStruct((B * L, DP), jnp.float32),
        mesh=mesh,
        scratch_types=[
            pltpu.VMEM((rows_per_w,), jnp.int32),
            [pltpu.VMEM((L, D), jnp.float32) for _ in range(_NBUF)],
            pltpu.VMEM_SHARED((L, D), jnp.float32),
            pltpu.SemaphoreType.DMA((_NBUF,)),
            pltpu.SemaphoreType.DMA((_NBUF,)),
            pltpu.SemaphoreType.DMA((_NBUF,)),
        ],
        compiler_params=pltpu.CompilerParams(use_tc_tiling_on_sc=False),
    )
    def gather_k(seq_hbm, table_hbm, pos_hbm, out_hbm, idx_v, bufs,
                 pos_sh, sem_p, sem_g, sem_w):
        wid = lax.axis_index("s") * NC + lax.axis_index("c")
        base = wid * rows_per_w

        pltpu.sync_copy(seq_hbm.at[pl.ds(base, rows_per_w)], idx_v)

        @pl.when(lax.axis_index("s") == 0)
        def _fill_shared():
            pltpu.sync_copy(pos_hbm, bufs[0])
            pltpu.sync_copy(bufs[0], pos_sh)

        plsc.subcore_barrier()

        def start_prefill(b):
            pltpu.async_copy(pos_sh, bufs[b], sem_p.at[b])

        def wait_prefill(b):
            pltpu.make_async_copy(pos_sh, bufs[b], sem_p.at[b]).wait()

        def start_gathers(c, b):
            off = c * L
            for (o, n) in splits:
                pltpu.async_copy(
                    table_hbm.at[idx_v.at[pl.ds(off + o, n)]],
                    bufs[b].at[pl.ds(o, n)],
                    sem_g.at[b],
                    add=True,
                )

        def wait_gathers(b):
            for (o, n) in splits:
                pltpu.make_async_copy(
                    table_hbm.at[idx_v.at[pl.ds(o, n)]],
                    bufs[b].at[pl.ds(o, n)],
                    sem_g.at[b],
                ).wait()

        def start_write(c, b):
            pltpu.async_copy(
                bufs[b], out_hbm.at[pl.ds(base + c * L, L), pl.ds(0, D)],
                sem_w.at[b])

        def wait_write(b):
            pltpu.make_async_copy(
                bufs[b], out_hbm.at[pl.ds(base, L), pl.ds(0, D)],
                sem_w.at[b]).wait()

        for j in range(_PD):
            start_prefill(j)
        for j in range(_GD):
            wait_prefill(j)
            start_gathers(j, j)

        @pl.loop(0, nchunks // _NBUF)
        def _main(g):
            for b in range(_NBUF):
                c = g * _NBUF + b
                wait_gathers(b)
                start_write(c, b)
                bp = (b + _PD) % _NBUF

                @pl.when(c + _PD < nchunks)
                def _prefill():
                    @pl.when(c >= 1)
                    def _drain_write():
                        wait_write(bp)

                    start_prefill(bp)

                bg = (b + _GD) % _NBUF

                @pl.when(c + _GD < nchunks)
                def _gather():
                    wait_prefill(bg)
                    start_gathers(c + _GD, bg)

        for c in range(nchunks - _PD - 1, nchunks):
            wait_write(c % _NBUF)

    return gather_k


def kernel(seq, token_table, pos_table):
    B, L = seq.shape
    V, D = token_table.shape
    n_full = (V // 128) * 128
    tail = token_table[n_full:].reshape((V - n_full) // 2, 2 * D)
    packed = _build_retile_kernel(V, D)(token_table.T, tail)
    tbl = packed.reshape(V, D)
    gather_k = _build_gather_kernel(B, L, V, D)
    out = gather_k(seq.reshape(-1).astype(jnp.int32), tbl, pos_table)
    return out[:, :D].reshape(B, L, D)

# --- scband reference (transcript-rebuilt; emitter-appended) ---
"""Pipeline reference for scband-seq-embedding-46024869544059 (READ-ONLY COPY).

The authoritative reference and input builder live on the scoring server;
editing this copy changes nothing except your own understanding.
"""

import jax, jax.numpy as jnp
import numpy as np

VOCAB_SIZE = 1000000
MAX_LENGTH = 200
DEPTH = 64


def setup_inputs(seed: int = 0) -> dict:
    key = jax.random.key(seed)
    k_seq, k_tok, k_pos = jax.random.split(key, 3)
    seq = jax.random.randint(k_seq, (4096, 200), 0, VOCAB_SIZE, dtype=jnp.int64 if jax.config.jax_enable_x64 else jnp.int32)
    token_table = jax.random.normal(k_tok, (VOCAB_SIZE, DEPTH), dtype=jnp.float32) * 0.05
    pos_table = jax.random.normal(k_pos, (MAX_LENGTH, DEPTH), dtype=jnp.float32) * 0.05
    return {"seq": seq, "token_table": token_table, "pos_table": pos_table}


def reference(seq, token_table, pos_table):
    # token embedding: gather rows from the token table
    tok = jnp.take(token_table, seq, axis=0)  # [B, L, D]
    # positional embedding over sequence positions
    L = seq.shape[1]
    pos_idx = jnp.arange(L)
    pos = jnp.take(pos_table, pos_idx, axis=0)[jnp.newaxis, :, :]  # [1, L, D]
    # add (broadcast over batch)
    return tok + pos

if __name__ == "__main__":
    import jax
    _d = setup_inputs()
    print(jax.jit(kernel)(*tuple(_d.values())))

</pallas_src>

<mosaic_0001>
#map = affine_map<(d0, d1) -> (0, 0)>
module attributes {stable_mosaic.version = 14 : i64} {
  func.func @retile(%arg0: i32, %arg1: i32, %arg2: memref<64x1000000xf32, #tpu.memory_space<hbm>>, %arg3: memref<32x128xf32, #tpu.memory_space<hbm>>, %arg4: memref<500000x128xf32, #tpu.memory_space<hbm>>, %arg5: memref<64x128xf32, #tpu.memory_space<vmem>>, %arg6: memref<64x128xf32, #tpu.memory_space<vmem>>, %arg7: memref<64x128xf32, #tpu.memory_space<vmem>>, %arg8: memref<64x128xf32, #tpu.memory_space<vmem>>, %arg9: memref<2x!tpu.dma_semaphore, #tpu.memory_space<semaphore_mem>>, %arg10: memref<2x!tpu.dma_semaphore, #tpu.memory_space<semaphore_mem>>) attributes {dimension_semantics = [#tpu.dimension_semantics<core_parallel>, #tpu.dimension_semantics<subcore_parallel>], iteration_bounds = array<i64: 2, 16>, scalar_prefetch = 0 : i64, scratch_operands = 6 : i64, tpu.core_type = #tpu.core_type<sc_vector_subcore>, window_params = [{transform_indices = #map}, {transform_indices = #map}, {transform_indices = #map}]} {
    %mul3A = arith.constant 2 : i32
    %mul3A_0 = arith.muli %arg1, %mul3A : i32
    %add3A = arith.addi %mul3A_0, %arg0 : i32
    %iota3A = tpu.iota {dimensions = array<i32: 0>} : vector<16xi32>
    %add3A_1 = arith.constant 0 : i32
    %add3A_2 = vector.broadcast %add3A_1 : i32 to vector<16xi32>
    %add3A_3 = arith.addi %iota3A, %add3A_2 : vector<16xi32>
    %add3A_4 = arith.constant 16 : i32
    %add3A_5 = vector.broadcast %add3A_4 : i32 to vector<16xi32>
    %add3A_6 = arith.addi %iota3A, %add3A_5 : vector<16xi32>
    %add3A_7 = arith.constant 32 : i32
    %add3A_8 = vector.broadcast %add3A_7 : i32 to vector<16xi32>
    %add3A_9 = arith.addi %iota3A, %add3A_8 : vector<16xi32>
    %add3A_10 = arith.constant 48 : i32
    %add3A_11 = vector.broadcast %add3A_10 : i32 to vector<16xi32>
    %add3A_12 = arith.addi %iota3A, %add3A_11 : vector<16xi32>
    %eq3A = arith.constant 31 : i32
    %eq3A_13 = arith.cmpi eq, %add3A, %eq3A : i32
    %convert_element_type3A = arith.extui %eq3A_13 : i1 to i32
    %cond3A = arith.constant 0 : i32
    %cond3A_14 = arith.cmpi ne, %convert_element_type3A, %cond3A : i32
    scf.if %cond3A_14 {
      "tpu.region"() ({
        %run_scoped3A = tpu.sem_alloc : memref<!tpu.dma_semaphore, #tpu.memory_space<semaphore_mem>>
        %dma_start3A_50 = arith.constant 0 : i32
        %dma_start3A_51 = arith.constant 0 : i32
        %dma_start3A_52 = tpu.memref_slice %arg8[%dma_start3A_50, %dma_start3A_51] : memref<64x128xf32, #tpu.memory_space<vmem>> -> memref<32x128xf32, #tpu.memory_space<vmem>>
        %dma_start3A_53 = arith.constant 0 : i32
        %dma_start3A_54 = arith.constant 0 : i32
        %dma_start3A_55 = tpu.memref_slice %arg8[%dma_start3A_53, %dma_start3A_54] : memref<64x128xf32, #tpu.memory_space<vmem>> -> memref<32x128xf32, #tpu.memory_space<vmem>>
        tpu.enqueue_dma source(%arg3 : memref<32x128xf32, #tpu.memory_space<hbm>>) target(%dma_start3A_55 : memref<32x128xf32, #tpu.memory_space<vmem>>) target_semaphore(%run_scoped3A : memref<!tpu.dma_semaphore, #tpu.memory_space<semaphore_mem>>)
        %dma_wait3A_56 = arith.constant 0 : i32
        %dma_wait3A_57 = arith.constant 0 : i32
        %dma_wait3A_58 = tpu.memref_slice %arg8[%dma_wait3A_56, %dma_wait3A_57] : memref<64x128xf32, #tpu.memory_space<vmem>> -> memref<32x128xf32, #tpu.memory_space<vmem>>
        %dma_wait3A_59 = arith.constant 0 : i32
        %dma_wait3A_60 = arith.constant 0 : i32
        %dma_wait3A_61 = tpu.memref_slice %arg8[%dma_wait3A_59, %dma_wait3A_60] : memref<64x128xf32, #tpu.memory_space<vmem>> -> memref<32x128xf32, #tpu.memory_space<vmem>>
        tpu.wait_dma2 semaphore(%run_scoped3A : memref<!tpu.dma_semaphore, #tpu.memory_space<semaphore_mem>>) src(%arg3 : memref<32x128xf32, #tpu.memory_space<hbm>>) dst(%dma_wait3A_61 : memref<32x128xf32, #tpu.memory_space<vmem>>)
        tpu.yield
      }) : () -> ()
      "tpu.region"() ({
        %run_scoped3A = tpu.sem_alloc : memref<!tpu.dma_semaphore, #tpu.memory_space<semaphore_mem>>
        %dma_start3A_50 = arith.constant 0 : i32
        %dma_start3A_51 = arith.constant 0 : i32
        %dma_start3A_52 = tpu.memref_slice %arg8[%dma_start3A_50, %dma_start3A_51] : memref<64x128xf32, #tpu.memory_space<vmem>> -> memref<32x128xf32, #tpu.memory_space<vmem>>
        %dma_start3A_53 = arith.constant 499968 : i32
        %dma_start3A_54 = arith.constant 0 : i32
        %dma_start3A_55 = tpu.memref_slice %arg4[%dma_start3A_53, %dma_start3A_54] : memref<500000x128xf32, #tpu.memory_space<hbm>> -> memref<32x128xf32, #tpu.memory_space<hbm>>
        %dma_start3A_56 = arith.constant 499968 : i32
        %dma_start3A_57 = arith.constant 0 : i32
        %dma_start3A_58 = tpu.memref_slice %arg4[%dma_start3A_56, %dma_start3A_57] : memref<500000x128xf32, #tpu.memory_space<hbm>> -> memref<32x128xf32, #tpu.memory_space<hbm>>
        %dma_start3A_59 = arith.constant 0 : i32
        %dma_start3A_60 = arith.constant 0 : i32
        %dma_start3A_61 = tpu.memref_slice %arg8[%dma_start3A_59, %dma_start3A_60] : memref<64x128xf32, #tpu.memory_space<vmem>> -> memref<32x128xf32, #tpu.memory_space<vmem>>
        tpu.enqueue_dma source(%dma_start3A_61 : memref<32x128xf32, #tpu.memory_space<vmem>>) target(%dma_start3A_58 : memref<32x128xf32, #tpu.memory_space<hbm>>) target_semaphore(%run_scoped3A : memref<!tpu.dma_semaphore, #tpu.memory_space<semaphore_mem>>)
        %dma_wait3A_62 = arith.constant 0 : i32
        %dma_wait3A_63 = arith.constant 0 : i32
        %dma_wait3A_64 = tpu.memref_slice %arg8[%dma_wait3A_62, %dma_wait3A_63] : memref<64x128xf32, #tpu.memory_space<vmem>> -> memref<32x128xf32, #tpu.memory_space<vmem>>
        %dma_wait3A_65 = arith.constant 499968 : i32
        %dma_wait3A_66 = arith.constant 0 : i32
        %dma_wait3A_67 = tpu.memref_slice %arg4[%dma_wait3A_65, %dma_wait3A_66] : memref<500000x128xf32, #tpu.memory_space<hbm>> -> memref<32x128xf32, #tpu.memory_space<hbm>>
        %dma_wait3A_68 = arith.constant 499968 : i32
        %dma_wait3A_69 = arith.constant 0 : i32
        %dma_wait3A_70 = tpu.memref_slice %arg4[%dma_wait3A_68, %dma_wait3A_69] : memref<500000x128xf32, #tpu.memory_space<hbm>> -> memref<32x128xf32, #tpu.memory_space<hbm>>
        %dma_wait3A_71 = arith.constant 0 : i32
        %dma_wait3A_72 = arith.constant 0 : i32
        %dma_wait3A_73 = tpu.memref_slice %arg8[%dma_wait3A_71, %dma_wait3A_72] : memref<64x128xf32, #tpu.memory_space<vmem>> -> memref<32x128xf32, #tpu.memory_space<vmem>>
        tpu.wait_dma2 semaphore(%run_scoped3A : memref<!tpu.dma_semaphore, #tpu.memory_space<semaphore_mem>>) src(%dma_wait3A_73 : memref<32x128xf32, #tpu.memory_space<vmem>>) dst(%dma_wait3A_70 : memref<32x128xf32, #tpu.memory_space<hbm>>)
        tpu.yield
      }) : () -> ()
    } else {
    }
    %add3A_15 = arith.constant 0 : i32
    %add3A_16 = arith.addi %add3A_15, %add3A : i32
    %mul3A_17 = arith.constant 128 : i32
    %mul3A_18 = arith.muli %add3A_16, %mul3A_17 : i32
    %dma_start3A = arith.constant 0 : i32
    %dma_start3A_19 = arith.constant 0 : i32
    %dma_start3A_20 = tpu.memref_slice %arg2[%dma_start3A_19, %mul3A_18] : memref<64x1000000xf32, #tpu.memory_space<hbm>> -> memref<64x128xf32, #tpu.memory_space<hbm>>
    %dma_start3A_21 = tpu.memref_slice %arg9[%dma_start3A] : memref<2x!tpu.dma_semaphore, #tpu.memory_space<semaphore_mem>> -> memref<1x!tpu.dma_semaphore, #tpu.memory_space<semaphore_mem>>
    %dma_start3A_22 = tpu.memref_squeeze %dma_start3A_21 : memref<1x!tpu.dma_semaphore, #tpu.memory_space<semaphore_mem>> -> memref<!tpu.dma_semaphore, #tpu.memory_space<semaphore_mem>>
    %dma_start3A_23 = arith.constant 0 : i32
    %dma_start3A_24 = tpu.memref_slice %arg2[%dma_start3A_23, %mul3A_18] : memref<64x1000000xf32, #tpu.memory_space<hbm>> -> memref<64x128xf32, #tpu.memory_space<hbm>>
    tpu.enqueue_dma source(%dma_start3A_24 : memref<64x128xf32, #tpu.memory_space<hbm>>) target(%arg5 : memref<64x128xf32, #tpu.memory_space<vmem>>) target_semaphore(%dma_start3A_22 : memref<!tpu.dma_semaphore, #tpu.memory_space<semaphore_mem>>)
    %scan3A = arith.constant 0 : i32
    %scan3A_25 = arith.constant 244 : i32
    %scan3A_26 = arith.addi %scan3A, %scan3A_25 : i32
    %scan3A_27 = arith.constant 1 : i32
    scf.for %scan3A_50 = %scan3A to %scan3A_26 step %scan3A_27  : i32 {
      %mul3A_51 = arith.constant 1 : i32
      %mul3A_52 = arith.muli %scan3A_50, %mul3A_51 : i32
      %add3A_53 = arith.constant 0 : i32
      %add3A_54 = arith.addi %add3A_53, %mul3A_52 : i32
      %rem3A = arith.constant 2 : i32
      %rem3A_55 = arith.remsi %add3A_54, %rem3A : i32
      %eq3A_56 = arith.constant 0 : i32
      %eq3A_57 = arith.cmpi eq, %rem3A_55, %eq3A_56 : i32
      %convert_element_type3A_58 = arith.extui %eq3A_57 : i1 to i32
      %cond3A_59 = arith.constant 0 : i32
      %cond3A_60 = arith.cmpi ne, %convert_element_type3A_58, %cond3A_59 : i32
      scf.if %cond3A_60 {
        %dma_wait3A_66 = arith.constant 0 : i32
        %dma_wait3A_67 = arith.constant 0 : i32
        %dma_wait3A_68 = arith.constant 0 : i32
        %dma_wait3A_69 = tpu.memref_slice %arg2[%dma_wait3A_67, %dma_wait3A_68] : memref<64x1000000xf32, #tpu.memory_space<hbm>> -> memref<64x128xf32, #tpu.memory_space<hbm>>
        %dma_wait3A_70 = tpu.memref_slice %arg9[%dma_wait3A_66] : memref<2x!tpu.dma_semaphore, #tpu.memory_space<semaphore_mem>> -> memref<1x!tpu.dma_semaphore, #tpu.memory_space<semaphore_mem>>
        %dma_wait3A_71 = tpu.memref_squeeze %dma_wait3A_70 : memref<1x!tpu.dma_semaphore, #tpu.memory_space<semaphore_mem>> -> memref<!tpu.dma_semaphore, #tpu.memory_space<semaphore_mem>>
        %dma_wait3A_72 = arith.constant 0 : i32
        %dma_wait3A_73 = arith.constant 0 : i32
        %dma_wait3A_74 = tpu.memref_slice %arg2[%dma_wait3A_72, %dma_wait3A_73] : memref<64x1000000xf32, #tpu.memory_space<hbm>> -> memref<64x128xf32, #tpu.memory_space<hbm>>
        tpu.wait_dma2 semaphore(%dma_wait3A_71 : memref<!tpu.dma_semaphore, #tpu.memory_space<semaphore_mem>>) src(%dma_wait3A_74 : memref<64x128xf32, #tpu.memory_space<hbm>>) dst(%arg5 : memref<64x128xf32, #tpu.memory_space<vmem>>)
        %add3A_75 = arith.constant 1 : i32
        %add3A_76 = arith.addi %add3A_54, %add3A_75 : i32
        %lt3A_77 = arith.constant 244 : i32
        %lt3A_78 = arith.cmpi slt, %add3A_76, %lt3A_77 : i32
        %convert_element_type3A_79 = arith.extui %lt3A_78 : i1 to i32
        %cond3A_80 = arith.constant 0 : i32
        %cond3A_81 = arith.cmpi ne, %convert_element_type3A_79, %cond3A_80 : i32
        scf.if %cond3A_81 {
          %add3A_103 = arith.constant 1 : i32
          %add3A_104 = arith.addi %add3A_54, %add3A_103 : i32
          %mul3A_105 = arith.constant 32 : i32
          %mul3A_106 = arith.muli %add3A_104, %mul3A_105 : i32
          %add3A_107 = arith.addi %mul3A_106, %add3A : i32
          %mul3A_108 = arith.constant 128 : i32
          %mul3A_109 = arith.muli %add3A_107, %mul3A_108 : i32
          %dma_start3A_110 = arith.constant 1 : i32
          %dma_start3A_111 = arith.constant 0 : i32
          %dma_start3A_112 = tpu.memref_slice %arg2[%dma_start3A_111, %mul3A_109] : memref<64x1000000xf32, #tpu.memory_space<hbm>> -> memref<64x128xf32, #tpu.memory_space<hbm>>
          %dma_start3A_113 = tpu.memref_slice %arg9[%dma_start3A_110] : memref<2x!tpu.dma_semaphore, #tpu.memory_space<semaphore_mem>> -> memref<1x!tpu.dma_semaphore, #tpu.memory_space<semaphore_mem>>
          %dma_start3A_114 = tpu.memref_squeeze %dma_start3A_113 : memref<1x!tpu.dma_semaphore, #tpu.memory_space<semaphore_mem>> -> memref<!tpu.dma_semaphore, #tpu.memory_space<semaphore_mem>>
          %dma_start3A_115 = arith.constant 0 : i32
          %dma_start3A_116 = tpu.memref_slice %arg2[%dma_start3A_115, %mul3A_109] : memref<64x1000000xf32, #tpu.memory_space<hbm>> -> memref<64x128xf32, #tpu.memory_space<hbm>>
          tpu.enqueue_dma source(%dma_start3A_116 : memref<64x128xf32, #tpu.memory_space<hbm>>) target(%arg6 : memref<64x128xf32, #tpu.memory_space<vmem>>) target_semaphore(%dma_start3A_114 : memref<!tpu.dma_semaphore, #tpu.memory_space<semaphore_mem>>)
        } else {
        }
        %ge3A = arith.constant 2 : i32
        %ge3A_82 = arith.cmpi sge, %add3A_54, %ge3A : i32
        %convert_element_type3A_83 = arith.extui %ge3A_82 : i1 to i32
        %cond3A_84 = arith.constant 0 : i32
        %cond3A_85 = arith.cmpi ne, %convert_element_type3A_83, %cond3A_84 : i32
        scf.if %cond3A_85 {
          %dma_wait3A_103 = arith.constant 0 : i32
          %dma_wait3A_104 = arith.constant 0 : i32
          %dma_wait3A_105 = arith.constant 0 : i32
          %dma_wait3A_106 = tpu.memref_slice %arg4[%dma_wait3A_104, %dma_wait3A_105] : memref<500000x128xf32, #tpu.memory_space<hbm>> -> memref<64x128xf32, #tpu.memory_space<hbm>>
          %dma_wait3A_107 = tpu.memref_slice %arg10[%dma_wait3A_103] : memref<2x!tpu.dma_semaphore, #tpu.memory_space<semaphore_mem>> -> memref<1x!tpu.dma_semaphore, #tpu.memory_space<semaphore_mem>>
          %dma_wait3A_108 = tpu.memref_squeeze %dma_wait3A_107 : memref<1x!tpu.dma_semaphore, #tpu.memory_space<semaphore_mem>> -> memref<!tpu.dma_semaphore, #tpu.memory_space<semaphore_mem>>
          %dma_wait3A_109 = arith.constant 0 : i32
          %dma_wait3A_110 = arith.constant 0 : i32
          %dma_wait3A_111 = tpu.memref_slice %arg4[%dma_wait3A_109, %dma_wait3A_110] : memref<500000x128xf32, #tpu.memory_space<hbm>> -> memref<64x128xf32, #tpu.memory_space<hbm>>
          tpu.wait_dma2 semaphore(%dma_wait3A_108 : memref<!tpu.dma_semaphore, #tpu.memory_space<semaphore_mem>>) src(%arg7 : memref<64x128xf32, #tpu.memory_space<vmem>>) dst(%dma_wait3A_111 : memref<64x128xf32, #tpu.memory_space<hbm>>)
        } else {
        }
        %scan3A_86 = arith.constant 0 : i32
        %scan3A_87 = arith.constant 64 : i32
        %scan3A_88 = arith.addi %scan3A_86, %scan3A_87 : i32
        %scan3A_89 = arith.constant 1 : i32
        scf.for %scan3A_103 = %scan3A_86 to %scan3A_88 step %scan3A_89  : i32 {
          %mul3A_104 = arith.constant 1 : i32
          %mul3A_105 = arith.muli %scan3A_103, %mul3A_104 : i32
          %add3A_106 = arith.constant 0 : i32
          %add3A_107 = arith.addi %add3A_106, %mul3A_105 : i32
          %mul3A_108 = arith.constant 2 : i32
          %mul3A_109 = arith.muli %mul3A_108, %add3A_107 : i32
          %add3A_110 = arith.constant 0 : i32
          %add3A_111 = arith.addi %mul3A_109, %add3A_110 : i32
          %broadcast_in_dim3A = vector.broadcast %add3A_111 : i32 to vector<16xi32>
          %gather3A = tpu.vector_load_idx %arg5[%add3A_3, %broadcast_in_dim3A] : memref<64x128xf32, #tpu.memory_space<vmem>>[vector<16xi32>, vector<16xi32>], vector<16xf32>,
          %swap3A = arith.index_cast %add3A_107 : i32 to index
          %swap3A_112 = arith.constant 0 : index
          %swap3A_113 = tpu.vector_load %arg7[%swap3A, %swap3A_112] {strides = array<i32>} : memref<64x128xf32, #tpu.memory_space<vmem>>, vector<16xf32>,
          tpu.vector_store %arg7[%swap3A, %swap3A_112], %gather3A {strides = array<i32>} : memref<64x128xf32, #tpu.memory_space<vmem>>, vector<16xf32>,
          %gather3A_114 = tpu.vector_load_idx %arg5[%add3A_6, %broadcast_in_dim3A] : memref<64x128xf32, #tpu.memory_space<vmem>>[vector<16xi32>, vector<16xi32>], vector<16xf32>,
          %swap3A_115 = arith.index_cast %add3A_107 : i32 to index
          %swap3A_116 = arith.constant 16 : index
          %swap3A_117 = tpu.vector_load %arg7[%swap3A_115, %swap3A_116] {strides = array<i32>} : memref<64x128xf32, #tpu.memory_space<vmem>>, vector<16xf32>,
          tpu.vector_store %arg7[%swap3A_115, %swap3A_116], %gather3A_114 {strides = array<i32>} : memref<64x128xf32, #tpu.memory_space<vmem>>, vector<16xf32>,
          %gather3A_118 = tpu.vector_load_idx %arg5[%add3A_9, %broadcast_in_dim3A] : memref<64x128xf32, #tpu.memory_space<vmem>>[vector<16xi32>, vector<16xi32>], vector<16xf32>,
          %swap3A_119 = arith.index_cast %add3A_107 : i32 to index
          %swap3A_120 = arith.constant 32 : index
          %swap3A_121 = tpu.vector_load %arg7[%swap3A_119, %swap3A_120] {strides = array<i32>} : memref<64x128xf32, #tpu.memory_space<vmem>>, vector<16xf32>,
          tpu.vector_store %arg7[%swap3A_119, %swap3A_120], %gather3A_118 {strides = array<i32>} : memref<64x128xf32, #tpu.memory_space<vmem>>, vector<16xf32>,
          %gather3A_122 = tpu.vector_load_idx %arg5[%add3A_12, %broadcast_in_dim3A] : memref<64x128xf32, #tpu.memory_space<vmem>>[vector<16xi32>, vector<16xi32>], vector<16xf32>,
          %swap3A_123 = arith.index_cast %add3A_107 : i32 to index
          %swap3A_124 = arith.constant 48 : index
          %swap3A_125 = tpu.vector_load %arg7[%swap3A_123, %swap3A_124] {strides = array<i32>} : memref<64x128xf32, #tpu.memory_space<vmem>>, vector<16xf32>,
          tpu.vector_store %arg7[%swap3A_123, %swap3A_124], %gather3A_122 {strides = array<i32>} : memref<64x128xf32, #tpu.memory_space<vmem>>, vector<16xf32>,
          %mul3A_126 = arith.constant 2 : i32
          %mul3A_127 = arith.muli %mul3A_126, %add3A_107 : i32
          %add3A_128 = arith.constant 1 : i32
          %add3A_129 = arith.addi %mul3A_127, %add3A_128 : i32
          %broadcast_in_dim3A_130 = vector.broadcast %add3A_129 : i32 to vector<16xi32>
          %gather3A_131 = tpu.vector_load_idx %arg5[%add3A_3, %broadcast_in_dim3A_130] : memref<64x128xf32, #tpu.memory_space<vmem>>[vector<16xi32>, vector<16xi32>], vector<16xf32>,
          %swap3A_132 = arith.index_cast %add3A_107 : i32 to index
          %swap3A_133 = arith.constant 64 : index
          %swap3A_134 = tpu.vector_load %arg7[%swap3A_132, %swap3A_133] {strides = array<i32>} : memref<64x128xf32, #tpu.memory_space<vmem>>, vector<16xf32>,
          tpu.vector_store %arg7[%swap3A_132, %swap3A_133], %gather3A_131 {strides = array<i32>} : memref<64x128xf32, #tpu.memory_space<vmem>>, vector<16xf32>,
          %gather3A_135 = tpu.vector_load_idx %arg5[%add3A_6, %broadcast_in_dim3A_130] : memref<64x128xf32, #tpu.memory_space<vmem>>[vector<16xi32>, vector<16xi32>], vector<16xf32>,
          %swap3A_136 = arith.index_cast %add3A_107 : i32 to index
          %swap3A_137 = arith.constant 80 : index
          %swap3A_138 = tpu.vector_load %arg7[%swap3A_136, %swap3A_137] {strides = array<i32>} : memref<64x128xf32, #tpu.memory_space<vmem>>, vector<16xf32>,
          tpu.vector_store %arg7[%swap3A_136, %swap3A_137], %gather3A_135 {strides = array<i32>} : memref<64x128xf32, #tpu.memory_space<vmem>>, vector<16xf32>,
          %gather3A_139 = tpu.vector_load_idx %arg5[%add3A_9, %broadcast_in_dim3A_130] : memref<64x128xf32, #tpu.memory_space<vmem>>[vector<16xi32>, vector<16xi32>], vector<16xf32>,
          %swap3A_140 = arith.index_cast %add3A_107 : i32 to index
          %swap3A_141 = arith.constant 96 : index
          %swap3A_142 = tpu.vector_load %arg7[%swap3A_140, %swap3A_141] {strides = array<i32>} : memref<64x128xf32, #tpu.memory_space<vmem>>, vector<16xf32>,
          tpu.vector_store %arg7[%swap3A_140, %swap3A_141], %gather3A_139 {strides = array<i32>} : memref<64x128xf32, #tpu.memory_space<vmem>>, vector<16xf32>,
          %gather3A_143 = tpu.vector_load_idx %arg5[%add3A_12, %broadcast_in_dim3A_130] : memref<64x128xf32, #tpu.memory_space<vmem>>[vector<16xi32>, vector<16xi32>], vector<16xf32>,
          %swap3A_144 = arith.index_cast %add3A_107 : i32 to index
          %swap3A_145 = arith.constant 112 : index
          %swap3A_146 = tpu.vector_load %arg7[%swap3A_144, %swap3A_145] {strides = array<i32>} : memref<64x128xf32, #tpu.memory_space<vmem>>, vector<16xf32>,
          tpu.vector_store %arg7[%swap3A_144, %swap3A_145], %gather3A_143 {strides = array<i32>} : memref<64x128xf32, #tpu.memory_space<vmem>>, vector<16xf32>,
        }
        %scan3A_90 = arith.constant 64 : i32
        %mul3A_91 = arith.constant 32 : i32
        %mul3A_92 = arith.muli %add3A_54, %mul3A_91 : i32
        %add3A_93 = arith.addi %mul3A_92, %add3A : i32
        %mul3A_94 = arith.constant 64 : i32
        %mul3A_95 = arith.muli %add3A_93, %mul3A_94 : i32
        %dma_start3A_96 = arith.constant 0 : i32
        %dma_start3A_97 = arith.constant 0 : i32
        %dma_start3A_98 = tpu.memref_slice %arg4[%mul3A_95, %dma_start3A_97] : memref<500000x128xf32, #tpu.memory_space<hbm>> -> memref<64x128xf32, #tpu.memory_space<hbm>>
        %dma_start3A_99 = tpu.memref_slice %arg10[%dma_start3A_96] : memref<2x!tpu.dma_semaphore, #tpu.memory_space<semaphore_mem>> -> memref<1x!tpu.dma_semaphore, #tpu.memory_space<semaphore_mem>>
        %dma_start3A_100 = tpu.memref_squeeze %dma_start3A_99 : memref<1x!tpu.dma_semaphore, #tpu.memory_space<semaphore_mem>> -> memref<!tpu.dma_semaphore, #tpu.memory_space<semaphore_mem>>
        %dma_start3A_101 = arith.constant 0 : i32
        %dma_start3A_102 = tpu.memref_slice %arg4[%mul3A_95, %dma_start3A_101] : memref<500000x128xf32, #tpu.memory_space<hbm>> -> memref<64x128xf32, #tpu.memory_space<hbm>>
        tpu.enqueue_dma source(%arg7 : memref<64x128xf32, #tpu.memory_space<vmem>>) target(%dma_start3A_102 : memref<64x128xf32, #tpu.memory_space<hbm>>) target_semaphore(%dma_start3A_100 : memref<!tpu.dma_semaphore, #tpu.memory_space<semaphore_mem>>)
      } else {
      }
      %eq3A_61 = arith.constant 1 : i32
      %eq3A_62 = arith.cmpi eq, %rem3A_55, %eq3A_61 : i32
      %convert_element_type3A_63 = arith.extui %eq3A_62 : i1 to i32
      %cond3A_64 = arith.constant 0 : i32
      %cond3A_65 = arith.cmpi ne, %convert_element_type3A_63, %cond3A_64 : i32
      scf.if %cond3A_65 {
        %dma_wait3A_66 = arith.constant 1 : i32
        %dma_wait3A_67 = arith.constant 0 : i32
        %dma_wait3A_68 = arith.constant 0 : i32
        %dma_wait3A_69 = tpu.memref_slice %arg2[%dma_wait3A_67, %dma_wait3A_68] : memref<64x1000000xf32, #tpu.memory_space<hbm>> -> memref<64x128xf32, #tpu.memory_space<hbm>>
        %dma_wait3A_70 = tpu.memref_slice %arg9[%dma_wait3A_66] : memref<2x!tpu.dma_semaphore, #tpu.memory_space<semaphore_mem>> -> memref<1x!tpu.dma_semaphore, #tpu.memory_space<semaphore_mem>>
        %dma_wait3A_71 = tpu.memref_squeeze %dma_wait3A_70 : memref<1x!tpu.dma_semaphore, #tpu.memory_space<semaphore_mem>> -> memref<!tpu.dma_semaphore, #tpu.memory_space<semaphore_mem>>
        %dma_wait3A_72 = arith.constant 0 : i32
        %dma_wait3A_73 = arith.constant 0 : i32
        %dma_wait3A_74 = tpu.memref_slice %arg2[%dma_wait3A_72, %dma_wait3A_73] : memref<64x1000000xf32, #tpu.memory_space<hbm>> -> memref<64x128xf32, #tpu.memory_space<hbm>>
        tpu.wait_dma2 semaphore(%dma_wait3A_71 : memref<!tpu.dma_semaphore, #tpu.memory_space<semaphore_mem>>) src(%dma_wait3A_74 : memref<64x128xf32, #tpu.memory_space<hbm>>) dst(%arg6 : memref<64x128xf32, #tpu.memory_space<vmem>>)
        %add3A_75 = arith.constant 1 : i32
        %add3A_76 = arith.addi %add3A_54, %add3A_75 : i32
        %lt3A_77 = arith.constant 244 : i32
        %lt3A_78 = arith.cmpi slt, %add3A_76, %lt3A_77 : i32
        %convert_element_type3A_79 = arith.extui %lt3A_78 : i1 to i32
        %cond3A_80 = arith.constant 0 : i32
        %cond3A_81 = arith.cmpi ne, %convert_element_type3A_79, %cond3A_80 : i32
        scf.if %cond3A_81 {
          %add3A_103 = arith.constant 1 : i32
          %add3A_104 = arith.addi %add3A_54, %add3A_103 : i32
          %mul3A_105 = arith.constant 32 : i32
          %mul3A_106 = arith.muli %add3A_104, %mul3A_105 : i32
          %add3A_107 = arith.addi %mul3A_106, %add3A : i32
          %mul3A_108 = arith.constant 128 : i32
          %mul3A_109 = arith.muli %add3A_107, %mul3A_108 : i32
          %dma_start3A_110 = arith.constant 0 : i32
          %dma_start3A_111 = arith.constant 0 : i32
          %dma_start3A_112 = tpu.memref_slice %arg2[%dma_start3A_111, %mul3A_109] : memref<64x1000000xf32, #tpu.memory_space<hbm>> -> memref<64x128xf32, #tpu.memory_space<hbm>>
          %dma_start3A_113 = tpu.memref_slice %arg9[%dma_start3A_110] : memref<2x!tpu.dma_semaphore, #tpu.memory_space<semaphore_mem>> -> memref<1x!tpu.dma_semaphore, #tpu.memory_space<semaphore_mem>>
          %dma_start3A_114 = tpu.memref_squeeze %dma_start3A_113 : memref<1x!tpu.dma_semaphore, #tpu.memory_space<semaphore_mem>> -> memref<!tpu.dma_semaphore, #tpu.memory_space<semaphore_mem>>
          %dma_start3A_115 = arith.constant 0 : i32
          %dma_start3A_116 = tpu.memref_slice %arg2[%dma_start3A_115, %mul3A_109] : memref<64x1000000xf32, #tpu.memory_space<hbm>> -> memref<64x128xf32, #tpu.memory_space<hbm>>
          tpu.enqueue_dma source(%dma_start3A_116 : memref<64x128xf32, #tpu.memory_space<hbm>>) target(%arg5 : memref<64x128xf32, #tpu.memory_space<vmem>>) target_semaphore(%dma_start3A_114 : memref<!tpu.dma_semaphore, #tpu.memory_space<semaphore_mem>>)
        } else {
        }
        %ge3A = arith.constant 2 : i32
        %ge3A_82 = arith.cmpi sge, %add3A_54, %ge3A : i32
        %convert_element_type3A_83 = arith.extui %ge3A_82 : i1 to i32
        %cond3A_84 = arith.constant 0 : i32
        %cond3A_85 = arith.cmpi ne, %convert_element_type3A_83, %cond3A_84 : i32
        scf.if %cond3A_85 {
          %dma_wait3A_103 = arith.constant 1 : i32
          %dma_wait3A_104 = arith.constant 0 : i32
          %dma_wait3A_105 = arith.constant 0 : i32
          %dma_wait3A_106 = tpu.memref_slice %arg4[%dma_wait3A_104, %dma_wait3A_105] : memref<500000x128xf32, #tpu.memory_space<hbm>> -> memref<64x128xf32, #tpu.memory_space<hbm>>
          %dma_wait3A_107 = tpu.memref_slice %arg10[%dma_wait3A_103] : memref<2x!tpu.dma_semaphore, #tpu.memory_space<semaphore_mem>> -> memref<1x!tpu.dma_semaphore, #tpu.memory_space<semaphore_mem>>
          %dma_wait3A_108 = tpu.memref_squeeze %dma_wait3A_107 : memref<1x!tpu.dma_semaphore, #tpu.memory_space<semaphore_mem>> -> memref<!tpu.dma_semaphore, #tpu.memory_space<semaphore_mem>>
          %dma_wait3A_109 = arith.constant 0 : i32
          %dma_wait3A_110 = arith.constant 0 : i32
          %dma_wait3A_111 = tpu.memref_slice %arg4[%dma_wait3A_109, %dma_wait3A_110] : memref<500000x128xf32, #tpu.memory_space<hbm>> -> memref<64x128xf32, #tpu.memory_space<hbm>>
          tpu.wait_dma2 semaphore(%dma_wait3A_108 : memref<!tpu.dma_semaphore, #tpu.memory_space<semaphore_mem>>) src(%arg8 : memref<64x128xf32, #tpu.memory_space<vmem>>) dst(%dma_wait3A_111 : memref<64x128xf32, #tpu.memory_space<hbm>>)
        } else {
        }
        %scan3A_86 = arith.constant 0 : i32
        %scan3A_87 = arith.constant 64 : i32
        %scan3A_88 = arith.addi %scan3A_86, %scan3A_87 : i32
        %scan3A_89 = arith.constant 1 : i32
        scf.for %scan3A_103 = %scan3A_86 to %scan3A_88 step %scan3A_89  : i32 {
          %mul3A_104 = arith.constant 1 : i32
          %mul3A_105 = arith.muli %scan3A_103, %mul3A_104 : i32
          %add3A_106 = arith.constant 0 : i32
          %add3A_107 = arith.addi %add3A_106, %mul3A_105 : i32
          %mul3A_108 = arith.constant 2 : i32
          %mul3A_109 = arith.muli %mul3A_108, %add3A_107 : i32
          %add3A_110 = arith.constant 0 : i32
          %add3A_111 = arith.addi %mul3A_109, %add3A_110 : i32
          %broadcast_in_dim3A = vector.broadcast %add3A_111 : i32 to vector<16xi32>
          %gather3A = tpu.vector_load_idx %arg6[%add3A_3, %broadcast_in_dim3A] : memref<64x128xf32, #tpu.memory_space<vmem>>[vector<16xi32>, vector<16xi32>], vector<16xf32>,
          %swap3A = arith.index_cast %add3A_107 : i32 to index
          %swap3A_112 = arith.constant 0 : index
          %swap3A_113 = tpu.vector_load %arg8[%swap3A, %swap3A_112] {strides = array<i32>} : memref<64x128xf32, #tpu.memory_space<vmem>>, vector<16xf32>,
          tpu.vector_store %arg8[%swap3A, %swap3A_112], %gather3A {strides = array<i32>} : memref<64x128xf32, #tpu.memory_space<vmem>>, vector<16xf32>,
          %gather3A_114 = tpu.vector_load_idx %arg6[%add3A_6, %broadcast_in_dim3A] : memref<64x128xf32, #tpu.memory_space<vmem>>[vector<16xi32>, vector<16xi32>], vector<16xf32>,
          %swap3A_115 = arith.index_cast %add3A_107 : i32 to index
          %swap3A_116 = arith.constant 16 : index
          %swap3A_117 = tpu.vector_load %arg8[%swap3A_115, %swap3A_116] {strides = array<i32>} : memref<64x128xf32, #tpu.memory_space<vmem>>, vector<16xf32>,
          tpu.vector_store %arg8[%swap3A_115, %swap3A_116], %gather3A_114 {strides = array<i32>} : memref<64x128xf32, #tpu.memory_space<vmem>>, vector<16xf32>,
          %gather3A_118 = tpu.vector_load_idx %arg6[%add3A_9, %broadcast_in_dim3A] : memref<64x128xf32, #tpu.memory_space<vmem>>[vector<16xi32>, vector<16xi32>], vector<16xf32>,
          %swap3A_119 = arith.index_cast %add3A_107 : i32 to index
          %swap3A_120 = arith.constant 32 : index
          %swap3A_121 = tpu.vector_load %arg8[%swap3A_119, %swap3A_120] {strides = array<i32>} : memref<64x128xf32, #tpu.memory_space<vmem>>, vector<16xf32>,
          tpu.vector_store %arg8[%swap3A_119, %swap3A_120], %gather3A_118 {strides = array<i32>} : memref<64x128xf32, #tpu.memory_space<vmem>>, vector<16xf32>,
          %gather3A_122 = tpu.vector_load_idx %arg6[%add3A_12, %broadcast_in_dim3A] : memref<64x128xf32, #tpu.memory_space<vmem>>[vector<16xi32>, vector<16xi32>], vector<16xf32>,
          %swap3A_123 = arith.index_cast %add3A_107 : i32 to index
          %swap3A_124 = arith.constant 48 : index
          %swap3A_125 = tpu.vector_load %arg8[%swap3A_123, %swap3A_124] {strides = array<i32>} : memref<64x128xf32, #tpu.memory_space<vmem>>, vector<16xf32>,
          tpu.vector_store %arg8[%swap3A_123, %swap3A_124], %gather3A_122 {strides = array<i32>} : memref<64x128xf32, #tpu.memory_space<vmem>>, vector<16xf32>,
          %mul3A_126 = arith.constant 2 : i32
          %mul3A_127 = arith.muli %mul3A_126, %add3A_107 : i32
          %add3A_128 = arith.constant 1 : i32
          %add3A_129 = arith.addi %mul3A_127, %add3A_128 : i32
          %broadcast_in_dim3A_130 = vector.broadcast %add3A_129 : i32 to vector<16xi32>
          %gather3A_131 = tpu.vector_load_idx %arg6[%add3A_3, %broadcast_in_dim3A_130] : memref<64x128xf32, #tpu.memory_space<vmem>>[vector<16xi32>, vector<16xi32>], vector<16xf32>,
          %swap3A_132 = arith.index_cast %add3A_107 : i32 to index
          %swap3A_133 = arith.constant 64 : index
          %swap3A_134 = tpu.vector_load %arg8[%swap3A_132, %swap3A_133] {strides = array<i32>} : memref<64x128xf32, #tpu.memory_space<vmem>>, vector<16xf32>,
          tpu.vector_store %arg8[%swap3A_132, %swap3A_133], %gather3A_131 {strides = array<i32>} : memref<64x128xf32, #tpu.memory_space<vmem>>, vector<16xf32>,
          %gather3A_135 = tpu.vector_load_idx %arg6[%add3A_6, %broadcast_in_dim3A_130] : memref<64x128xf32, #tpu.memory_space<vmem>>[vector<16xi32>, vector<16xi32>], vector<16xf32>,
          %swap3A_136 = arith.index_cast %add3A_107 : i32 to index
          %swap3A_137 = arith.constant 80 : index
          %swap3A_138 = tpu.vector_load %arg8[%swap3A_136, %swap3A_137] {strides = array<i32>} : memref<64x128xf32, #tpu.memory_space<vmem>>, vector<16xf32>,
          tpu.vector_store %arg8[%swap3A_136, %swap3A_137], %gather3A_135 {strides = array<i32>} : memref<64x128xf32, #tpu.memory_space<vmem>>, vector<16xf32>,
          %gather3A_139 = tpu.vector_load_idx %arg6[%add3A_9, %broadcast_in_dim3A_130] : memref<64x128xf32, #tpu.memory_space<vmem>>[vector<16xi32>, vector<16xi32>], vector<16xf32>,
          %swap3A_140 = arith.index_cast %add3A_107 : i32 to index
          %swap3A_141 = arith.constant 96 : index
          %swap3A_142 = tpu.vector_load %arg8[%swap3A_140, %swap3A_141] {strides = array<i32>} : memref<64x128xf32, #tpu.memory_space<vmem>>, vector<16xf32>,
          tpu.vector_store %arg8[%swap3A_140, %swap3A_141], %gather3A_139 {strides = array<i32>} : memref<64x128xf32, #tpu.memory_space<vmem>>, vector<16xf32>,
          %gather3A_143 = tpu.vector_load_idx %arg6[%add3A_12, %broadcast_in_dim3A_130] : memref<64x128xf32, #tpu.memory_space<vmem>>[vector<16xi32>, vector<16xi32>], vector<16xf32>,
          %swap3A_144 = arith.index_cast %add3A_107 : i32 to index
          %swap3A_145 = arith.constant 112 : index
          %swap3A_146 = tpu.vector_load %arg8[%swap3A_144, %swap3A_145] {strides = array<i32>} : memref<64x128xf32, #tpu.memory_space<vmem>>, vector<16xf32>,
          tpu.vector_store %arg8[%swap3A_144, %swap3A_145], %gather3A_143 {strides = array<i32>} : memref<64x128xf32, #tpu.memory_space<vmem>>, vector<16xf32>,
        }
        %scan3A_90 = arith.constant 64 : i32
        %mul3A_91 = arith.constant 32 : i32
        %mul3A_92 = arith.muli %add3A_54, %mul3A_91 : i32
        %add3A_93 = arith.addi %mul3A_92, %add3A : i32
        %mul3A_94 = arith.constant 64 : i32
        %mul3A_95 = arith.muli %add3A_93, %mul3A_94 : i32
        %dma_start3A_96 = arith.constant 1 : i32
        %dma_start3A_97 = arith.constant 0 : i32
        %dma_start3A_98 = tpu.memref_slice %arg4[%mul3A_95, %dma_start3A_97] : memref<500000x128xf32, #tpu.memory_space<hbm>> -> memref<64x128xf32, #tpu.memory_space<hbm>>
        %dma_start3A_99 = tpu.memref_slice %arg10[%dma_start3A_96] : memref<2x!tpu.dma_semaphore, #tpu.memory_space<semaphore_mem>> -> memref<1x!tpu.dma_semaphore, #tpu.memory_space<semaphore_mem>>
        %dma_start3A_100 = tpu.memref_squeeze %dma_start3A_99 : memref<1x!tpu.dma_semaphore, #tpu.memory_space<semaphore_mem>> -> memref<!tpu.dma_semaphore, #tpu.memory_space<semaphore_mem>>
        %dma_start3A_101 = arith.constant 0 : i32
        %dma_start3A_102 = tpu.memref_slice %arg4[%mul3A_95, %dma_start3A_101] : memref<500000x128xf32, #tpu.memory_space<hbm>> -> memref<64x128xf32, #tpu.memory_space<hbm>>
        tpu.enqueue_dma source(%arg8 : memref<64x128xf32, #tpu.memory_space<vmem>>) target(%dma_start3A_102 : memref<64x128xf32, #tpu.memory_space<hbm>>) target_semaphore(%dma_start3A_100 : memref<!tpu.dma_semaphore, #tpu.memory_space<semaphore_mem>>)
      } else {
      }
    }
    %scan3A_28 = arith.constant 244 : i32
    %dma_wait3A = arith.constant 0 : i32
    %dma_wait3A_29 = arith.constant 0 : i32
    %dma_wait3A_30 = arith.constant 0 : i32
    %dma_wait3A_31 = tpu.memref_slice %arg4[%dma_wait3A_29, %dma_wait3A_30] : memref<500000x128xf32, #tpu.memory_space<hbm>> -> memref<64x128xf32, #tpu.memory_space<hbm>>
    %dma_wait3A_32 = tpu.memref_slice %arg10[%dma_wait3A] : memref<2x!tpu.dma_semaphore, #tpu.memory_space<semaphore_mem>> -> memref<1x!tpu.dma_semaphore, #tpu.memory_space<semaphore_mem>>
    %dma_wait3A_33 = tpu.memref_squeeze %dma_wait3A_32 : memref<1x!tpu.dma_semaphore, #tpu.memory_space<semaphore_mem>> -> memref<!tpu.dma_semaphore, #tpu.memory_space<semaphore_mem>>
    %dma_wait3A_34 = arith.constant 0 : i32
    %dma_wait3A_35 = arith.constant 0 : i32
    %dma_wait3A_36 = tpu.memref_slice %arg4[%dma_wait3A_34, %dma_wait3A_35] : memref<500000x128xf32, #tpu.memory_space<hbm>> -> memref<64x128xf32, #tpu.memory_space<hbm>>
    tpu.wait_dma2 semaphore(%dma_wait3A_33 : memref<!tpu.dma_semaphore, #tpu.memory_space<semaphore_mem>>) src(%arg7 : memref<64x128xf32, #tpu.memory_space<vmem>>) dst(%dma_wait3A_36 : memref<64x128xf32, #tpu.memory_space<hbm>>)
    %dma_wait3A_37 = arith.constant 1 : i32
    %dma_wait3A_38 = arith.constant 0 : i32
    %dma_wait3A_39 = arith.constant 0 : i32
    %dma_wait3A_40 = tpu.memref_slice %arg4[%dma_wait3A_38, %dma_wait3A_39] : memref<500000x128xf32, #tpu.memory_space<hbm>> -> memref<64x128xf32, #tpu.memory_space<hbm>>
    %dma_wait3A_41 = tpu.memref_slice %arg10[%dma_wait3A_37] : memref<2x!tpu.dma_semaphore, #tpu.memory_space<semaphore_mem>> -> memref<1x!tpu.dma_semaphore, #tpu.memory_space<semaphore_mem>>
    %dma_wait3A_42 = tpu.memref_squeeze %dma_wait3A_41 : memref<1x!tpu.dma_semaphore, #tpu.memory_space<semaphore_mem>> -> memref<!tpu.dma_semaphore, #tpu.memory_space<semaphore_mem>>
    %dma_wait3A_43 = arith.constant 0 : i32
    %dma_wait3A_44 = arith.constant 0 : i32
    %dma_wait3A_45 = tpu.memref_slice %arg4[%dma_wait3A_43, %dma_wait3A_44] : memref<500000x128xf32, #tpu.memory_space<hbm>> -> memref<64x128xf32, #tpu.memory_space<hbm>>
    tpu.wait_dma2 semaphore(%dma_wait3A_42 : memref<!tpu.dma_semaphore, #tpu.memory_space<semaphore_mem>>) src(%arg8 : memref<64x128xf32, #tpu.memory_space<vmem>>) dst(%dma_wait3A_45 : memref<64x128xf32, #tpu.memory_space<hbm>>)
    %lt3A = arith.constant 4 : i32
    %lt3A_46 = arith.cmpi slt, %add3A, %lt3A : i32
    %convert_element_type3A_47 = arith.extui %lt3A_46 : i1 to i32
    %cond3A_48 = arith.constant 0 : i32
    %cond3A_49 = arith.cmpi ne, %convert_element_type3A_47, %cond3A_48 : i32
    scf.if %cond3A_49 {
      %add3A_50 = arith.constant 7808 : i32
      %add3A_51 = arith.addi %add3A_50, %add3A : i32
      %mul3A_52 = arith.constant 128 : i32
      %mul3A_53 = arith.muli %add3A_51, %mul3A_52 : i32
      "tpu.region"() ({
        %run_scoped3A = tpu.sem_alloc : memref<!tpu.dma_semaphore, #tpu.memory_space<semaphore_mem>>
        %dma_start3A_61 = arith.constant 0 : i32
        %dma_start3A_62 = tpu.memref_slice %arg2[%dma_start3A_61, %mul3A_53] : memref<64x1000000xf32, #tpu.memory_space<hbm>> -> memref<64x128xf32, #tpu.memory_space<hbm>>
        %dma_start3A_63 = arith.constant 0 : i32
        %dma_start3A_64 = tpu.memref_slice %arg2[%dma_start3A_63, %mul3A_53] : memref<64x1000000xf32, #tpu.memory_space<hbm>> -> memref<64x128xf32, #tpu.memory_space<hbm>>
        tpu.enqueue_dma source(%dma_start3A_64 : memref<64x128xf32, #tpu.memory_space<hbm>>) target(%arg5 : memref<64x128xf32, #tpu.memory_space<vmem>>) target_semaphore(%run_scoped3A : memref<!tpu.dma_semaphore, #tpu.memory_space<semaphore_mem>>)
        %dma_wait3A_65 = arith.constant 0 : i32
        %dma_wait3A_66 = tpu.memref_slice %arg2[%dma_wait3A_65, %mul3A_53] : memref<64x1000000xf32, #tpu.memory_space<hbm>> -> memref<64x128xf32, #tpu.memory_space<hbm>>
        %dma_wait3A_67 = arith.constant 0 : i32
        %dma_wait3A_68 = tpu.memref_slice %arg2[%dma_wait3A_67, %mul3A_53] : memref<64x1000000xf32, #tpu.memory_space<hbm>> -> memref<64x128xf32, #tpu.memory_space<hbm>>
        tpu.wait_dma2 semaphore(%run_scoped3A : memref<!tpu.dma_semaphore, #tpu.memory_space<semaphore_mem>>) src(%dma_wait3A_68 : memref<64x128xf32, #tpu.memory_space<hbm>>) dst(%arg5 : memref<64x128xf32, #tpu.memory_space<vmem>>)
        tpu.yield
      }) : () -> ()
      %scan3A_54 = arith.constant 0 : i32
      %scan3A_55 = arith.constant 64 : i32
      %scan3A_56 = arith.addi %scan3A_54, %scan3A_55 : i32
      %scan3A_57 = arith.constant 1 : i32
      scf.for %scan3A_61 = %scan3A_54 to %scan3A_56 step %scan3A_57  : i32 {
        %mul3A_62 = arith.constant 1 : i32
        %mul3A_63 = arith.muli %scan3A_61, %mul3A_62 : i32
        %add3A_64 = arith.constant 0 : i32
        %add3A_65 = arith.addi %add3A_64, %mul3A_63 : i32
        %mul3A_66 = arith.constant 2 : i32
        %mul3A_67 = arith.muli %mul3A_66, %add3A_65 : i32
        %add3A_68 = arith.constant 0 : i32
        %add3A_69 = arith.addi %mul3A_67, %add3A_68 : i32
        %broadcast_in_dim3A = vector.broadcast %add3A_69 : i32 to vector<16xi32>
        %gather3A = tpu.vector_load_idx %arg5[%add3A_3, %broadcast_in_dim3A] : memref<64x128xf32, #tpu.memory_space<vmem>>[vector<16xi32>, vector<16xi32>], vector<16xf32>,
        %swap3A = arith.index_cast %add3A_65 : i32 to index
        %swap3A_70 = arith.constant 0 : index
        %swap3A_71 = tpu.vector_load %arg7[%swap3A, %swap3A_70] {strides = array<i32>} : memref<64x128xf32, #tpu.memory_space<vmem>>, vector<16xf32>,
        tpu.vector_store %arg7[%swap3A, %swap3A_70], %gather3A {strides = array<i32>} : memref<64x128xf32, #tpu.memory_space<vmem>>, vector<16xf32>,
        %gather3A_72 = tpu.vector_load_idx %arg5[%add3A_6, %broadcast_in_dim3A] : memref<64x128xf32, #tpu.memory_space<vmem>>[vector<16xi32>, vector<16xi32>], vector<16xf32>,
        %swap3A_73 = arith.index_cast %add3A_65 : i32 to index
        %swap3A_74 = arith.constant 16 : index
        %swap3A_75 = tpu.vector_load %arg7[%swap3A_73, %swap3A_74] {strides = array<i32>} : memref<64x128xf32, #tpu.memory_space<vmem>>, vector<16xf32>,
        tpu.vector_store %arg7[%swap3A_73, %swap3A_74], %gather3A_72 {strides = array<i32>} : memref<64x128xf32, #tpu.memory_space<vmem>>, vector<16xf32>,
        %gather3A_76 = tpu.vector_load_idx %arg5[%add3A_9, %broadcast_in_dim3A] : memref<64x128xf32, #tpu.memory_space<vmem>>[vector<16xi32>, vector<16xi32>], vector<16xf32>,
        %swap3A_77 = arith.index_cast %add3A_65 : i32 to index
        %swap3A_78 = arith.constant 32 : index
        %swap3A_79 = tpu.vector_load %arg7[%swap3A_77, %swap3A_78] {strides = array<i32>} : memref<64x128xf32, #tpu.memory_space<vmem>>, vector<16xf32>,
        tpu.vector_store %arg7[%swap3A_77, %swap3A_78], %gather3A_76 {strides = array<i32>} : memref<64x128xf32, #tpu.memory_space<vmem>>, vector<16xf32>,
        %gather3A_80 = tpu.vector_load_idx %arg5[%add3A_12, %broadcast_in_dim3A] : memref<64x128xf32, #tpu.memory_space<vmem>>[vector<16xi32>, vector<16xi32>], vector<16xf32>,
        %swap3A_81 = arith.index_cast %add3A_65 : i32 to index
        %swap3A_82 = arith.constant 48 : index
        %swap3A_83 = tpu.vector_load %arg7[%swap3A_81, %swap3A_82] {strides = array<i32>} : memref<64x128xf32, #tpu.memory_space<vmem>>, vector<16xf32>,
        tpu.vector_store %arg7[%swap3A_81, %swap3A_82], %gather3A_80 {strides = array<i32>} : memref<64x128xf32, #tpu.memory_space<vmem>>, vector<16xf32>,
        %mul3A_84 = arith.constant 2 : i32
        %mul3A_85 = arith.muli %mul3A_84, %add3A_65 : i32
        %add3A_86 = arith.constant 1 : i32
        %add3A_87 = arith.addi %mul3A_85, %add3A_86 : i32
        %broadcast_in_dim3A_88 = vector.broadcast %add3A_87 : i32 to vector<16xi32>
        %gather3A_89 = tpu.vector_load_idx %arg5[%add3A_3, %broadcast_in_dim3A_88] : memref<64x128xf32, #tpu.memory_space<vmem>>[vector<16xi32>, vector<16xi32>], vector<16xf32>,
        %swap3A_90 = arith.index_cast %add3A_65 : i32 to index
        %swap3A_91 = arith.constant 64 : index
        %swap3A_92 = tpu.vector_load %arg7[%swap3A_90, %swap3A_91] {strides = array<i32>} : memref<64x128xf32, #tpu.memory_space<vmem>>, vector<16xf32>,
        tpu.vector_store %arg7[%swap3A_90, %swap3A_91], %gather3A_89 {strides = array<i32>} : memref<64x128xf32, #tpu.memory_space<vmem>>, vector<16xf32>,
        %gather3A_93 = tpu.vector_load_idx %arg5[%add3A_6, %broadcast_in_dim3A_88] : memref<64x128xf32, #tpu.memory_space<vmem>>[vector<16xi32>, vector<16xi32>], vector<16xf32>,
        %swap3A_94 = arith.index_cast %add3A_65 : i32 to index
        %swap3A_95 = arith.constant 80 : index
        %swap3A_96 = tpu.vector_load %arg7[%swap3A_94, %swap3A_95] {strides = array<i32>} : memref<64x128xf32, #tpu.memory_space<vmem>>, vector<16xf32>,
        tpu.vector_store %arg7[%swap3A_94, %swap3A_95], %gather3A_93 {strides = array<i32>} : memref<64x128xf32, #tpu.memory_space<vmem>>, vector<16xf32>,
        %gather3A_97 = tpu.vector_load_idx %arg5[%add3A_9, %broadcast_in_dim3A_88] : memref<64x128xf32, #tpu.memory_space<vmem>>[vector<16xi32>, vector<16xi32>], vector<16xf32>,
        %swap3A_98 = arith.index_cast %add3A_65 : i32 to index
        %swap3A_99 = arith.constant 96 : index
        %swap3A_100 = tpu.vector_load %arg7[%swap3A_98, %swap3A_99] {strides = array<i32>} : memref<64x128xf32, #tpu.memory_space<vmem>>, vector<16xf32>,
        tpu.vector_store %arg7[%swap3A_98, %swap3A_99], %gather3A_97 {strides = array<i32>} : memref<64x128xf32, #tpu.memory_space<vmem>>, vector<16xf32>,
        %gather3A_101 = tpu.vector_load_idx %arg5[%add3A_12, %broadcast_in_dim3A_88] : memref<64x128xf32, #tpu.memory_space<vmem>>[vector<16xi32>, vector<16xi32>], vector<16xf32>,
        %swap3A_102 = arith.index_cast %add3A_65 : i32 to index
        %swap3A_103 = arith.constant 112 : index
        %swap3A_104 = tpu.vector_load %arg7[%swap3A_102, %swap3A_103] {strides = array<i32>} : memref<64x128xf32, #tpu.memory_space<vmem>>, vector<16xf32>,
        tpu.vector_store %arg7[%swap3A_102, %swap3A_103], %gather3A_101 {strides = array<i32>} : memref<64x128xf32, #tpu.memory_space<vmem>>, vector<16xf32>,
      }
      %scan3A_58 = arith.constant 64 : i32
      %mul3A_59 = arith.constant 64 : i32
      %mul3A_60 = arith.muli %add3A_51, %mul3A_59 : i32
      "tpu.region"() ({
        %run_scoped3A = tpu.sem_alloc : memref<!tpu.dma_semaphore, #tpu.memory_space<semaphore_mem>>
        %dma_start3A_61 = arith.constant 0 : i32
        %dma_start3A_62 = tpu.memref_slice %arg4[%mul3A_60, %dma_start3A_61] : memref<500000x128xf32, #tpu.memory_space<hbm>> -> memref<64x128xf32, #tpu.memory_space<hbm>>
        %dma_start3A_63 = arith.constant 0 : i32
        %dma_start3A_64 = tpu.memref_slice %arg4[%mul3A_60, %dma_start3A_63] : memref<500000x128xf32, #tpu.memory_space<hbm>> -> memref<64x128xf32, #tpu.memory_space<hbm>>
        tpu.enqueue_dma source(%arg7 : memref<64x128xf32, #tpu.memory_space<vmem>>) target(%dma_start3A_64 : memref<64x128xf32, #tpu.memory_space<hbm>>) target_semaphore(%run_scoped3A : memref<!tpu.dma_semaphore, #tpu.memory_space<semaphore_mem>>)
        %dma_wait3A_65 = arith.constant 0 : i32
        %dma_wait3A_66 = tpu.memref_slice %arg4[%mul3A_60, %dma_wait3A_65] : memref<500000x128xf32, #tpu.memory_space<hbm>> -> memref<64x128xf32, #tpu.memory_space<hbm>>
        %dma_wait3A_67 = arith.constant 0 : i32
        %dma_wait3A_68 = tpu.memref_slice %arg4[%mul3A_60, %dma_wait3A_67] : memref<500000x128xf32, #tpu.memory_space<hbm>> -> memref<64x128xf32, #tpu.memory_space<hbm>>
        tpu.wait_dma2 semaphore(%run_scoped3A : memref<!tpu.dma_semaphore, #tpu.memory_space<semaphore_mem>>) src(%arg7 : memref<64x128xf32, #tpu.memory_space<vmem>>) dst(%dma_wait3A_68 : memref<64x128xf32, #tpu.memory_space<hbm>>)
        tpu.yield
      }) : () -> ()
    } else {
    }
    return
  }
}

#map = affine_map<(d0, d1) -> (0)>
#map1 = affine_map<(d0, d1) -> (0, 0)>
module attributes {stable_mosaic.version = 14 : i64} {
  func.func @gather_k(%arg0: i32, %arg1: i32, %arg2: memref<819200xi32, #tpu.memory_space<hbm>>, %arg3: memref<1000000x64xf32, #tpu.memory_space<hbm>>, %arg4: memref<200x64xf32, #tpu.memory_space<hbm>>, %arg5: memref<819200x128xf32, #tpu.memory_space<hbm>>, %arg6: memref<25600xi32, #tpu.memory_space<vmem>>, %arg7: memref<200x64xf32, #tpu.memory_space<vmem>>, %arg8: memref<200x64xf32, #tpu.memory_space<vmem>>, %arg9: memref<200x64xf32, #tpu.memory_space<vmem>>, %arg10: memref<200x64xf32, #tpu.memory_space<vmem>>, %arg11: memref<200x64xf32, #tpu.memory_space<vmem_shared>>, %arg12: memref<4x!tpu.dma_semaphore, #tpu.memory_space<semaphore_mem>>, %arg13: memref<4x!tpu.dma_semaphore, #tpu.memory_space<semaphore_mem>>, %arg14: memref<4x!tpu.dma_semaphore, #tpu.memory_space<semaphore_mem>>) attributes {dimension_semantics = [#tpu.dimension_semantics<core_parallel>, #tpu.dimension_semantics<subcore_parallel>], iteration_bounds = array<i64: 2, 16>, scalar_prefetch = 0 : i64, scratch_operands = 9 : i64, tpu.core_type = #tpu.core_type<sc_vector_subcore>, window_params = [{transform_indices = #map}, {transform_indices = #map1}, {transform_indices = #map1}, {transform_indices = #map1}]} {
    %mul3A = arith.constant 2 : i32
    %mul3A_0 = arith.muli %arg1, %mul3A : i32
    %add3A = arith.addi %mul3A_0, %arg0 : i32
    %mul3A_1 = arith.constant 25600 : i32
    %mul3A_2 = arith.muli %add3A, %mul3A_1 : i32
    "tpu.region"() ({
      %run_scoped3A = tpu.sem_alloc : memref<!tpu.dma_semaphore, #tpu.memory_space<semaphore_mem>>
      %dma_start3A_94 = tpu.memref_slice %arg2[%mul3A_2] : memref<819200xi32, #tpu.memory_space<hbm>> -> memref<25600xi32, #tpu.memory_space<hbm>>
      %dma_start3A_95 = tpu.memref_slice %arg2[%mul3A_2] : memref<819200xi32, #tpu.memory_space<hbm>> -> memref<25600xi32, #tpu.memory_space<hbm>>
      tpu.enqueue_dma source(%dma_start3A_95 : memref<25600xi32, #tpu.memory_space<hbm>>) target(%arg6 : memref<25600xi32, #tpu.memory_space<vmem>>) target_semaphore(%run_scoped3A : memref<!tpu.dma_semaphore, #tpu.memory_space<semaphore_mem>>)
      %dma_wait3A_96 = tpu.memref_slice %arg2[%mul3A_2] : memref<819200xi32, #tpu.memory_space<hbm>> -> memref<25600xi32, #tpu.memory_space<hbm>>
      %dma_wait3A_97 = tpu.memref_slice %arg2[%mul3A_2] : memref<819200xi32, #tpu.memory_space<hbm>> -> memref<25600xi32, #tpu.memory_space<hbm>>
      tpu.wait_dma2 semaphore(%run_scoped3A : memref<!tpu.dma_semaphore, #tpu.memory_space<semaphore_mem>>) src(%dma_wait3A_97 : memref<25600xi32, #tpu.memory_space<hbm>>) dst(%arg6 : memref<25600xi32, #tpu.memory_space<vmem>>)
      tpu.yield
    }) : () -> ()
    %eq3A = arith.constant 0 : i32
    %eq3A_3 = arith.cmpi eq, %arg1, %eq3A : i32
    %convert_element_type3A = arith.extui %eq3A_3 : i1 to i32
    %cond3A = arith.constant 0 : i32
    %cond3A_4 = arith.cmpi ne, %convert_element_type3A, %cond3A : i32
    scf.if %cond3A_4 {
      "tpu.region"() ({
        %run_scoped3A = tpu.sem_alloc : memref<!tpu.dma_semaphore, #tpu.memory_space<semaphore_mem>>
        tpu.enqueue_dma source(%arg4 : memref<200x64xf32, #tpu.memory_space<hbm>>) target(%arg7 : memref<200x64xf32, #tpu.memory_space<vmem>>) target_semaphore(%run_scoped3A : memref<!tpu.dma_semaphore, #tpu.memory_space<semaphore_mem>>)
        tpu.wait_dma2 semaphore(%run_scoped3A : memref<!tpu.dma_semaphore, #tpu.memory_space<semaphore_mem>>) src(%arg4 : memref<200x64xf32, #tpu.memory_space<hbm>>) dst(%arg7 : memref<200x64xf32, #tpu.memory_space<vmem>>)
        tpu.yield
      }) : () -> ()
      "tpu.region"() ({
        %run_scoped3A = tpu.sem_alloc : memref<!tpu.dma_semaphore, #tpu.memory_space<semaphore_mem>>
        tpu.enqueue_dma source(%arg7 : memref<200x64xf32, #tpu.memory_space<vmem>>) target(%arg11 : memref<200x64xf32, #tpu.memory_space<vmem_shared>>) target_semaphore(%run_scoped3A : memref<!tpu.dma_semaphore, #tpu.memory_space<semaphore_mem>>)
        tpu.wait_dma2 semaphore(%run_scoped3A : memref<!tpu.dma_semaphore, #tpu.memory_space<semaphore_mem>>) src(%arg7 : memref<200x64xf32, #tpu.memory_space<vmem>>) dst(%arg11 : memref<200x64xf32, #tpu.memory_space<vmem_shared>>)
        tpu.yield
      }) : () -> ()
    } else {
    }
    %barrier3A = arith.constant 0 : index
    tpu.barrier barrier_id(%barrier3A)
    %dma_start3A = arith.constant 0 : i32
    %dma_start3A_5 = tpu.memref_slice %arg12[%dma_start3A] : memref<4x!tpu.dma_semaphore, #tpu.memory_space<semaphore_mem>> -> memref<1x!tpu.dma_semaphore, #tpu.memory_space<semaphore_mem>>
    %dma_start3A_6 = tpu.memref_squeeze %dma_start3A_5 : memref<1x!tpu.dma_semaphore, #tpu.memory_space<semaphore_mem>> -> memref<!tpu.dma_semaphore, #tpu.memory_space<semaphore_mem>>
    tpu.enqueue_dma source(%arg11 : memref<200x64xf32, #tpu.memory_space<vmem_shared>>) target(%arg7 : memref<200x64xf32, #tpu.memory_space<vmem>>) target_semaphore(%dma_start3A_6 : memref<!tpu.dma_semaphore, #tpu.memory_space<semaphore_mem>>)
    %dma_start3A_7 = arith.constant 1 : i32
    %dma_start3A_8 = tpu.memref_slice %arg12[%dma_start3A_7] : memref<4x!tpu.dma_semaphore, #tpu.memory_space<semaphore_mem>> -> memref<1x!tpu.dma_semaphore, #tpu.memory_space<semaphore_mem>>
    %dma_start3A_9 = tpu.memref_squeeze %dma_start3A_8 : memref<1x!tpu.dma_semaphore, #tpu.memory_space<semaphore_mem>> -> memref<!tpu.dma_semaphore, #tpu.memory_space<semaphore_mem>>
    tpu.enqueue_dma source(%arg11 : memref<200x64xf32, #tpu.memory_space<vmem_shared>>) target(%arg8 : memref<200x64xf32, #tpu.memory_space<vmem>>) target_semaphore(%dma_start3A_9 : memref<!tpu.dma_semaphore, #tpu.memory_space<semaphore_mem>>)
    %dma_start3A_10 = arith.constant 2 : i32
    %dma_start3A_11 = tpu.memref_slice %arg12[%dma_start3A_10] : memref<4x!tpu.dma_semaphore, #tpu.memory_space<semaphore_mem>> -> memref<1x!tpu.dma_semaphore, #tpu.memory_space<semaphore_mem>>
    %dma_start3A_12 = tpu.memref_squeeze %dma_start3A_11 : memref<1x!tpu.dma_semaphore, #tpu.memory_space<semaphore_mem>> -> memref<!tpu.dma_semaphore, #tpu.memory_space<semaphore_mem>>
    tpu.enqueue_dma source(%arg11 : memref<200x64xf32, #tpu.memory_space<vmem_shared>>) target(%arg9 : memref<200x64xf32, #tpu.memory_space<vmem>>) target_semaphore(%dma_start3A_12 : memref<!tpu.dma_semaphore, #tpu.memory_space<semaphore_mem>>)
    %dma_wait3A = arith.constant 0 : i32
    %dma_wait3A_13 = tpu.memref_slice %arg12[%dma_wait3A] : memref<4x!tpu.dma_semaphore, #tpu.memory_space<semaphore_mem>> -> memref<1x!tpu.dma_semaphore, #tpu.memory_space<semaphore_mem>>
    %dma_wait3A_14 = tpu.memref_squeeze %dma_wait3A_13 : memref<1x!tpu.dma_semaphore, #tpu.memory_space<semaphore_mem>> -> memref<!tpu.dma_semaphore, #tpu.memory_space<semaphore_mem>>
    tpu.wait_dma2 semaphore(%dma_wait3A_14 : memref<!tpu.dma_semaphore, #tpu.memory_space<semaphore_mem>>) src(%arg11 : memref<200x64xf32, #tpu.memory_space<vmem_shared>>) dst(%arg7 : memref<200x64xf32, #tpu.memory_space<vmem>>)
    %dma_start3A_15 = arith.constant 0 : i32
    %dma_start3A_16 = arith.constant 0 : i32
    %dma_start3A_17 = arith.constant 0 : i32
    %dma_start3A_18 = tpu.memref_slice %arg7[%dma_start3A_16, %dma_start3A_17] : memref<200x64xf32, #tpu.memory_space<vmem>> -> memref<128x64xf32, #tpu.memory_space<vmem>>
    %dma_start3A_19 = arith.constant 0 : i32
    %dma_start3A_20 = tpu.memref_slice %arg6[%dma_start3A_19] : memref<25600xi32, #tpu.memory_space<vmem>> -> memref<128xi32, #tpu.memory_space<vmem>>
    %dma_start3A_21 = arith.constant 0 : i32
    %dma_start3A_22 = arith.constant 0 : i32
    %dma_start3A_23 = tpu.memref_slice %arg3[%dma_start3A_21, %dma_start3A_22] : memref<1000000x64xf32, #tpu.memory_space<hbm>> -> memref<1000000x64xf32, #tpu.memory_space<hbm>>
    %dma_start3A_24 = tpu.memref_slice %arg13[%dma_start3A_15] : memref<4x!tpu.dma_semaphore, #tpu.memory_space<semaphore_mem>> -> memref<1x!tpu.dma_semaphore, #tpu.memory_space<semaphore_mem>>
    %dma_start3A_25 = tpu.memref_squeeze %dma_start3A_24 : memref<1x!tpu.dma_semaphore, #tpu.memory_space<semaphore_mem>> -> memref<!tpu.dma_semaphore, #tpu.memory_space<semaphore_mem>>
    tpu.enqueue_indirect_dma source(%dma_start3A_23 : memref<1000000x64xf32, #tpu.memory_space<hbm>>) target(%dma_start3A_18 : memref<128x64xf32, #tpu.memory_space<vmem>>) offsets(%dma_start3A_20 : memref<128xi32, #tpu.memory_space<vmem>>) semaphore(%dma_start3A_25 : memref<!tpu.dma_semaphore, #tpu.memory_space<semaphore_mem>>) {add = true}
    %dma_start3A_26 = arith.constant 0 : i32
    %dma_start3A_27 = arith.constant 128 : i32
    %dma_start3A_28 = arith.constant 0 : i32
    %dma_start3A_29 = tpu.memref_slice %arg7[%dma_start3A_27, %dma_start3A_28] : memref<200x64xf32, #tpu.memory_space<vmem>> -> memref<72x64xf32, #tpu.memory_space<vmem>>
    %dma_start3A_30 = arith.constant 128 : i32
    %dma_start3A_31 = tpu.memref_slice %arg6[%dma_start3A_30] : memref<25600xi32, #tpu.memory_space<vmem>> -> memref<72xi32, #tpu.memory_space<vmem>>
    %dma_start3A_32 = arith.constant 0 : i32
    %dma_start3A_33 = arith.constant 0 : i32
    %dma_start3A_34 = tpu.memref_slice %arg3[%dma_start3A_32, %dma_start3A_33] : memref<1000000x64xf32, #tpu.memory_space<hbm>> -> memref<1000000x64xf32, #tpu.memory_space<hbm>>
    %dma_start3A_35 = tpu.memref_slice %arg13[%dma_start3A_26] : memref<4x!tpu.dma_semaphore, #tpu.memory_space<semaphore_mem>> -> memref<1x!tpu.dma_semaphore, #tpu.memory_space<semaphore_mem>>
    %dma_start3A_36 = tpu.memref_squeeze %dma_start3A_35 : memref<1x!tpu.dma_semaphore, #tpu.memory_space<semaphore_mem>> -> memref<!tpu.dma_semaphore, #tpu.memory_space<semaphore_mem>>
    tpu.enqueue_indirect_dma source(%dma_start3A_34 : memref<1000000x64xf32, #tpu.memory_space<hbm>>) target(%dma_start3A_29 : memref<72x64xf32, #tpu.memory_space<vmem>>) offsets(%dma_start3A_31 : memref<72xi32, #tpu.memory_space<vmem>>) semaphore(%dma_start3A_36 : memref<!tpu.dma_semaphore, #tpu.memory_space<semaphore_mem>>) {add = true}
    %dma_wait3A_37 = arith.constant 1 : i32
    %dma_wait3A_38 = tpu.memref_slice %arg12[%dma_wait3A_37] : memref<4x!tpu.dma_semaphore, #tpu.memory_space<semaphore_mem>> -> memref<1x!tpu.dma_semaphore, #tpu.memory_space<semaphore_mem>>
    %dma_wait3A_39 = tpu.memref_squeeze %dma_wait3A_38 : memref<1x!tpu.dma_semaphore, #tpu.memory_space<semaphore_mem>> -> memref<!tpu.dma_semaphore, #tpu.memory_space<semaphore_mem>>
    tpu.wait_dma2 semaphore(%dma_wait3A_39 : memref<!tpu.dma_semaphore, #tpu.memory_space<semaphore_mem>>) src(%arg11 : memref<200x64xf32, #tpu.memory_space<vmem_shared>>) dst(%arg8 : memref<200x64xf32, #tpu.memory_space<vmem>>)
    %dma_start3A_40 = arith.constant 1 : i32
    %dma_start3A_41 = arith.constant 0 : i32
    %dma_start3A_42 = arith.constant 0 : i32
    %dma_start3A_43 = tpu.memref_slice %arg8[%dma_start3A_41, %dma_start3A_42] : memref<200x64xf32, #tpu.memory_space<vmem>> -> memref<128x64xf32, #tpu.memory_space<vmem>>
    %dma_start3A_44 = arith.constant 200 : i32
    %dma_start3A_45 = tpu.memref_slice %arg6[%dma_start3A_44] : memref<25600xi32, #tpu.memory_space<vmem>> -> memref<128xi32, #tpu.memory_space<vmem>>
    %dma_start3A_46 = arith.constant 0 : i32
    %dma_start3A_47 = arith.constant 0 : i32
    %dma_start3A_48 = tpu.memref_slice %arg3[%dma_start3A_46, %dma_start3A_47] : memref<1000000x64xf32, #tpu.memory_space<hbm>> -> memref<1000000x64xf32, #tpu.memory_space<hbm>>
    %dma_start3A_49 = tpu.memref_slice %arg13[%dma_start3A_40] : memref<4x!tpu.dma_semaphore, #tpu.memory_space<semaphore_mem>> -> memref<1x!tpu.dma_semaphore, #tpu.memory_space<semaphore_mem>>
    %dma_start3A_50 = tpu.memref_squeeze %dma_start3A_49 : memref<1x!tpu.dma_semaphore, #tpu.memory_space<semaphore_mem>> -> memref<!tpu.dma_semaphore, #tpu.memory_space<semaphore_mem>>
    tpu.enqueue_indirect_dma source(%dma_start3A_48 : memref<1000000x64xf32, #tpu.memory_space<hbm>>) target(%dma_start3A_43 : memref<128x64xf32, #tpu.memory_space<vmem>>) offsets(%dma_start3A_45 : memref<128xi32, #tpu.memory_space<vmem>>) semaphore(%dma_start3A_50 : memref<!tpu.dma_semaphore, #tpu.memory_space<semaphore_mem>>) {add = true}
    %dma_start3A_51 = arith.constant 1 : i32
    %dma_start3A_52 = arith.constant 128 : i32
    %dma_start3A_53 = arith.constant 0 : i32
    %dma_start3A_54 = tpu.memref_slice %arg8[%dma_start3A_52, %dma_start3A_53] : memref<200x64xf32, #tpu.memory_space<vmem>> -> memref<72x64xf32, #tpu.memory_space<vmem>>
    %dma_start3A_55 = arith.constant 328 : i32
    %dma_start3A_56 = tpu.memref_slice %arg6[%dma_start3A_55] : memref<25600xi32, #tpu.memory_space<vmem>> -> memref<72xi32, #tpu.memory_space<vmem>>
    %dma_start3A_57 = arith.constant 0 : i32
    %dma_start3A_58 = arith.constant 0 : i32
    %dma_start3A_59 = tpu.memref_slice %arg3[%dma_start3A_57, %dma_start3A_58] : memref<1000000x64xf32, #tpu.memory_space<hbm>> -> memref<1000000x64xf32, #tpu.memory_space<hbm>>
    %dma_start3A_60 = tpu.memref_slice %arg13[%dma_start3A_51] : memref<4x!tpu.dma_semaphore, #tpu.memory_space<semaphore_mem>> -> memref<1x!tpu.dma_semaphore, #tpu.memory_space<semaphore_mem>>
    %dma_start3A_61 = tpu.memref_squeeze %dma_start3A_60 : memref<1x!tpu.dma_semaphore, #tpu.memory_space<semaphore_mem>> -> memref<!tpu.dma_semaphore, #tpu.memory_space<semaphore_mem>>
    tpu.enqueue_indirect_dma source(%dma_start3A_59 : memref<1000000x64xf32, #tpu.memory_space<hbm>>) target(%dma_start3A_54 : memref<72x64xf32, #tpu.memory_space<vmem>>) offsets(%dma_start3A_56 : memref<72xi32, #tpu.memory_space<vmem>>) semaphore(%dma_start3A_61 : memref<!tpu.dma_semaphore, #tpu.memory_space<semaphore_mem>>) {add = true}
    %scan3A = arith.constant 0 : i32
    %scan3A_62 = arith.constant 32 : i32
    %scan3A_63 = arith.addi %scan3A, %scan3A_62 : i32
    %scan3A_64 = arith.constant 1 : i32
    scf.for %scan3A_94 = %scan3A to %scan3A_63 step %scan3A_64  : i32 {
      %mul3A_95 = arith.constant 1 : i32
      %mul3A_96 = arith.muli %scan3A_94, %mul3A_95 : i32
      %add3A_97 = arith.constant 0 : i32
      %add3A_98 = arith.addi %add3A_97, %mul3A_96 : i32
      %mul3A_99 = arith.constant 4 : i32
      %mul3A_100 = arith.muli %add3A_98, %mul3A_99 : i32
      %add3A_101 = arith.constant 0 : i32
      %add3A_102 = arith.addi %mul3A_100, %add3A_101 : i32
      %dma_wait3A_103 = arith.constant 0 : i32
      %dma_wait3A_104 = arith.constant 0 : i32
      %dma_wait3A_105 = arith.constant 0 : i32
      %dma_wait3A_106 = tpu.memref_slice %arg7[%dma_wait3A_104, %dma_wait3A_105] : memref<200x64xf32, #tpu.memory_space<vmem>> -> memref<128x64xf32, #tpu.memory_space<vmem>>
      %dma_wait3A_107 = arith.constant 0 : i32
      %dma_wait3A_108 = tpu.memref_slice %arg6[%dma_wait3A_107] : memref<25600xi32, #tpu.memory_space<vmem>> -> memref<128xi32, #tpu.memory_space<vmem>>
      %dma_wait3A_109 = arith.constant 0 : i32
      %dma_wait3A_110 = arith.constant 0 : i32
      %dma_wait3A_111 = tpu.memref_slice %arg3[%dma_wait3A_109, %dma_wait3A_110] : memref<1000000x64xf32, #tpu.memory_space<hbm>> -> memref<1000000x64xf32, #tpu.memory_space<hbm>>
      %dma_wait3A_112 = tpu.memref_slice %arg13[%dma_wait3A_103] : memref<4x!tpu.dma_semaphore, #tpu.memory_space<semaphore_mem>> -> memref<1x!tpu.dma_semaphore, #tpu.memory_space<semaphore_mem>>
      %dma_wait3A_113 = tpu.memref_squeeze %dma_wait3A_112 : memref<1x!tpu.dma_semaphore, #tpu.memory_space<semaphore_mem>> -> memref<!tpu.dma_semaphore, #tpu.memory_space<semaphore_mem>>
      tpu.wait_indirect_dma semaphore(%dma_wait3A_113 : memref<!tpu.dma_semaphore, #tpu.memory_space<semaphore_mem>>) src(%dma_wait3A_111 : memref<1000000x64xf32, #tpu.memory_space<hbm>>) dst(%dma_wait3A_106 : memref<128x64xf32, #tpu.memory_space<vmem>>)
      %dma_wait3A_114 = arith.constant 0 : i32
      %dma_wait3A_115 = arith.constant 128 : i32
      %dma_wait3A_116 = arith.constant 0 : i32
      %dma_wait3A_117 = tpu.memref_slice %arg7[%dma_wait3A_115, %dma_wait3A_116] : memref<200x64xf32, #tpu.memory_space<vmem>> -> memref<72x64xf32, #tpu.memory_space<vmem>>
      %dma_wait3A_118 = arith.constant 128 : i32
      %dma_wait3A_119 = tpu.memref_slice %arg6[%dma_wait3A_118] : memref<25600xi32, #tpu.memory_space<vmem>> -> memref<72xi32, #tpu.memory_space<vmem>>
      %dma_wait3A_120 = arith.constant 0 : i32
      %dma_wait3A_121 = arith.constant 0 : i32
      %dma_wait3A_122 = tpu.memref_slice %arg3[%dma_wait3A_120, %dma_wait3A_121] : memref<1000000x64xf32, #tpu.memory_space<hbm>> -> memref<1000000x64xf32, #tpu.memory_space<hbm>>
      %dma_wait3A_123 = tpu.memref_slice %arg13[%dma_wait3A_114] : memref<4x!tpu.dma_semaphore, #tpu.memory_space<semaphore_mem>> -> memref<1x!tpu.dma_semaphore, #tpu.memory_space<semaphore_mem>>
      %dma_wait3A_124 = tpu.memref_squeeze %dma_wait3A_123 : memref<1x!tpu.dma_semaphore, #tpu.memory_space<semaphore_mem>> -> memref<!tpu.dma_semaphore, #tpu.memory_space<semaphore_mem>>
      tpu.wait_indirect_dma semaphore(%dma_wait3A_124 : memref<!tpu.dma_semaphore, #tpu.memory_space<semaphore_mem>>) src(%dma_wait3A_122 : memref<1000000x64xf32, #tpu.memory_space<hbm>>) dst(%dma_wait3A_117 : memref<72x64xf32, #tpu.memory_space<vmem>>)
      %mul3A_125 = arith.constant 200 : i32
      %mul3A_126 = arith.muli %add3A_102, %mul3A_125 : i32
      %add3A_127 = arith.addi %mul3A_2, %mul3A_126 : i32
      %dma_start3A_128 = arith.constant 0 : i32
      %dma_start3A_129 = arith.constant 0 : i32
      %dma_start3A_130 = tpu.memref_slice %arg5[%add3A_127, %dma_start3A_129] : memref<819200x128xf32, #tpu.memory_space<hbm>> -> memref<200x64xf32, #tpu.memory_space<hbm>>
      %dma_start3A_131 = tpu.memref_slice %arg14[%dma_start3A_128] : memref<4x!tpu.dma_semaphore, #tpu.memory_space<semaphore_mem>> -> memref<1x!tpu.dma_semaphore, #tpu.memory_space<semaphore_mem>>
      %dma_start3A_132 = tpu.memref_squeeze %dma_start3A_131 : memref<1x!tpu.dma_semaphore, #tpu.memory_space<semaphore_mem>> -> memref<!tpu.dma_semaphore, #tpu.memory_space<semaphore_mem>>
      %dma_start3A_133 = arith.constant 0 : i32
      %dma_start3A_134 = tpu.memref_slice %arg5[%add3A_127, %dma_start3A_133] : memref<819200x128xf32, #tpu.memory_space<hbm>> -> memref<200x64xf32, #tpu.memory_space<hbm>>
      tpu.enqueue_dma source(%arg7 : memref<200x64xf32, #tpu.memory_space<vmem>>) target(%dma_start3A_134 : memref<200x64xf32, #tpu.memory_space<hbm>>) target_semaphore(%dma_start3A_132 : memref<!tpu.dma_semaphore, #tpu.memory_space<semaphore_mem>>)
      %add3A_135 = arith.constant 3 : i32
      %add3A_136 = arith.addi %add3A_102, %add3A_135 : i32
      %lt3A = arith.constant 128 : i32
      %lt3A_137 = arith.cmpi slt, %add3A_136, %lt3A : i32
      %convert_element_type3A_138 = arith.extui %lt3A_137 : i1 to i32
      %cond3A_139 = arith.constant 0 : i32
      %cond3A_140 = arith.cmpi ne, %convert_element_type3A_138, %cond3A_139 : i32
      scf.if %cond3A_140 {
        %ge3A = arith.constant 1 : i32
        %ge3A_298 = arith.cmpi sge, %add3A_102, %ge3A : i32
        %convert_element_type3A_299 = arith.extui %ge3A_298 : i1 to i32
        %cond3A_300 = arith.constant 0 : i32
        %cond3A_301 = arith.cmpi ne, %convert_element_type3A_299, %cond3A_300 : i32
        scf.if %cond3A_301 {
          %dma_wait3A_305 = arith.constant 3 : i32
          %dma_wait3A_306 = arith.constant 0 : i32
          %dma_wait3A_307 = tpu.memref_slice %arg5[%mul3A_2, %dma_wait3A_306] : memref<819200x128xf32, #tpu.memory_space<hbm>> -> memref<200x64xf32, #tpu.memory_space<hbm>>
          %dma_wait3A_308 = tpu.memref_slice %arg14[%dma_wait3A_305] : memref<4x!tpu.dma_semaphore, #tpu.memory_space<semaphore_mem>> -> memref<1x!tpu.dma_semaphore, #tpu.memory_space<semaphore_mem>>
          %dma_wait3A_309 = tpu.memref_squeeze %dma_wait3A_308 : memref<1x!tpu.dma_semaphore, #tpu.memory_space<semaphore_mem>> -> memref<!tpu.dma_semaphore, #tpu.memory_space<semaphore_mem>>
          %dma_wait3A_310 = arith.constant 0 : i32
          %dma_wait3A_311 = tpu.memref_slice %arg5[%mul3A_2, %dma_wait3A_310] : memref<819200x128xf32, #tpu.memory_space<hbm>> -> memref<200x64xf32, #tpu.memory_space<hbm>>
          tpu.wait_dma2 semaphore(%dma_wait3A_309 : memref<!tpu.dma_semaphore, #tpu.memory_space<semaphore_mem>>) src(%arg10 : memref<200x64xf32, #tpu.memory_space<vmem>>) dst(%dma_wait3A_311 : memref<200x64xf32, #tpu.memory_space<hbm>>)
        } else {
        }
        %dma_start3A_302 = arith.constant 3 : i32
        %dma_start3A_303 = tpu.memref_slice %arg12[%dma_start3A_302] : memref<4x!tpu.dma_semaphore, #tpu.memory_space<semaphore_mem>> -> memref<1x!tpu.dma_semaphore, #tpu.memory_space<semaphore_mem>>
        %dma_start3A_304 = tpu.memref_squeeze %dma_start3A_303 : memref<1x!tpu.dma_semaphore, #tpu.memory_space<semaphore_mem>> -> memref<!tpu.dma_semaphore, #tpu.memory_space<semaphore_mem>>
        tpu.enqueue_dma source(%arg11 : memref<200x64xf32, #tpu.memory_space<vmem_shared>>) target(%arg10 : memref<200x64xf32, #tpu.memory_space<vmem>>) target_semaphore(%dma_start3A_304 : memref<!tpu.dma_semaphore, #tpu.memory_space<semaphore_mem>>)
      } else {
      }
      %add3A_141 = arith.constant 2 : i32
      %add3A_142 = arith.addi %add3A_102, %add3A_141 : i32
      %lt3A_143 = arith.constant 128 : i32
      %lt3A_144 = arith.cmpi slt, %add3A_142, %lt3A_143 : i32
      %convert_element_type3A_145 = arith.extui %lt3A_144 : i1 to i32
      %cond3A_146 = arith.constant 0 : i32
      %cond3A_147 = arith.cmpi ne, %convert_element_type3A_145, %cond3A_146 : i32
      scf.if %cond3A_147 {
        %dma_wait3A_298 = arith.constant 2 : i32
        %dma_wait3A_299 = tpu.memref_slice %arg12[%dma_wait3A_298] : memref<4x!tpu.dma_semaphore, #tpu.memory_space<semaphore_mem>> -> memref<1x!tpu.dma_semaphore, #tpu.memory_space<semaphore_mem>>
        %dma_wait3A_300 = tpu.memref_squeeze %dma_wait3A_299 : memref<1x!tpu.dma_semaphore, #tpu.memory_space<semaphore_mem>> -> memref<!tpu.dma_semaphore, #tpu.memory_space<semaphore_mem>>
        tpu.wait_dma2 semaphore(%dma_wait3A_300 : memref<!tpu.dma_semaphore, #tpu.memory_space<semaphore_mem>>) src(%arg11 : memref<200x64xf32, #tpu.memory_space<vmem_shared>>) dst(%arg9 : memref<200x64xf32, #tpu.memory_space<vmem>>)
        %add3A_301 = arith.constant 2 : i32
        %add3A_302 = arith.addi %add3A_102, %add3A_301 : i32
        %mul3A_303 = arith.constant 200 : i32
        %mul3A_304 = arith.muli %add3A_302, %mul3A_303 : i32
        %add3A_305 = arith.constant 0 : i32
        %add3A_306 = arith.addi %mul3A_304, %add3A_305 : i32
        %dma_start3A_307 = arith.constant 2 : i32
        %dma_start3A_308 = arith.constant 0 : i32
        %dma_start3A_309 = arith.constant 0 : i32
        %dma_start3A_310 = tpu.memref_slice %arg9[%dma_start3A_308, %dma_start3A_309] : memref<200x64xf32, #tpu.memory_space<vmem>> -> memref<128x64xf32, #tpu.memory_space<vmem>>
        %dma_start3A_311 = tpu.memref_slice %arg6[%add3A_306] : memref<25600xi32, #tpu.memory_space<vmem>> -> memref<128xi32, #tpu.memory_space<vmem>>
        %dma_start3A_312 = arith.constant 0 : i32
        %dma_start3A_313 = arith.constant 0 : i32
        %dma_start3A_314 = tpu.memref_slice %arg3[%dma_start3A_312, %dma_start3A_313] : memref<1000000x64xf32, #tpu.memory_space<hbm>> -> memref<1000000x64xf32, #tpu.memory_space<hbm>>
        %dma_start3A_315 = tpu.memref_slice %arg13[%dma_start3A_307] : memref<4x!tpu.dma_semaphore, #tpu.memory_space<semaphore_mem>> -> memref<1x!tpu.dma_semaphore, #tpu.memory_space<semaphore_mem>>
        %dma_start3A_316 = tpu.memref_squeeze %dma_start3A_315 : memref<1x!tpu.dma_semaphore, #tpu.memory_space<semaphore_mem>> -> memref<!tpu.dma_semaphore, #tpu.memory_space<semaphore_mem>>
        tpu.enqueue_indirect_dma source(%dma_start3A_314 : memref<1000000x64xf32, #tpu.memory_space<hbm>>) target(%dma_start3A_310 : memref<128x64xf32, #tpu.memory_space<vmem>>) offsets(%dma_start3A_311 : memref<128xi32, #tpu.memory_space<vmem>>) semaphore(%dma_start3A_316 : memref<!tpu.dma_semaphore, #tpu.memory_space<semaphore_mem>>) {add = true}
        %add3A_317 = arith.constant 128 : i32
        %add3A_318 = arith.addi %mul3A_304, %add3A_317 : i32
        %dma_start3A_319 = arith.constant 2 : i32
        %dma_start3A_320 = arith.constant 128 : i32
        %dma_start3A_321 = arith.constant 0 : i32
        %dma_start3A_322 = tpu.memref_slice %arg9[%dma_start3A_320, %dma_start3A_321] : memref<200x64xf32, #tpu.memory_space<vmem>> -> memref<72x64xf32, #tpu.memory_space<vmem>>
        %dma_start3A_323 = tpu.memref_slice %arg6[%add3A_318] : memref<25600xi32, #tpu.memory_space<vmem>> -> memref<72xi32, #tpu.memory_space<vmem>>
        %dma_start3A_324 = arith.constant 0 : i32
        %dma_start3A_325 = arith.constant 0 : i32
        %dma_start3A_326 = tpu.memref_slice %arg3[%dma_start3A_324, %dma_start3A_325] : memref<1000000x64xf32, #tpu.memory_space<hbm>> -> memref<1000000x64xf32, #tpu.memory_space<hbm>>
        %dma_start3A_327 = tpu.memref_slice %arg13[%dma_start3A_319] : memref<4x!tpu.dma_semaphore, #tpu.memory_space<semaphore_mem>> -> memref<1x!tpu.dma_semaphore, #tpu.memory_space<semaphore_mem>>
        %dma_start3A_328 = tpu.memref_squeeze %dma_start3A_327 : memref<1x!tpu.dma_semaphore, #tpu.memory_space<semaphore_mem>> -> memref<!tpu.dma_semaphore, #tpu.memory_space<semaphore_mem>>
        tpu.enqueue_indirect_dma source(%dma_start3A_326 : memref<1000000x64xf32, #tpu.memory_space<hbm>>) target(%dma_start3A_322 : memref<72x64xf32, #tpu.memory_space<vmem>>) offsets(%dma_start3A_323 : memref<72xi32, #tpu.memory_space<vmem>>) semaphore(%dma_start3A_328 : memref<!tpu.dma_semaphore, #tpu.memory_space<semaphore_mem>>) {add = true}
      } else {
      }
      %mul3A_148 = arith.constant 4 : i32
      %mul3A_149 = arith.muli %add3A_98, %mul3A_148 : i32
      %add3A_150 = arith.constant 1 : i32
      %add3A_151 = arith.addi %mul3A_149, %add3A_150 : i32
      %dma_wait3A_152 = arith.constant 1 : i32
      %dma_wait3A_153 = arith.constant 0 : i32
      %dma_wait3A_154 = arith.constant 0 : i32
      %dma_wait3A_155 = tpu.memref_slice %arg8[%dma_wait3A_153, %dma_wait3A_154] : memref<200x64xf32, #tpu.memory_space<vmem>> -> memref<128x64xf32, #tpu.memory_space<vmem>>
      %dma_wait3A_156 = arith.constant 0 : i32
      %dma_wait3A_157 = tpu.memref_slice %arg6[%dma_wait3A_156] : memref<25600xi32, #tpu.memory_space<vmem>> -> memref<128xi32, #tpu.memory_space<vmem>>
      %dma_wait3A_158 = arith.constant 0 : i32
      %dma_wait3A_159 = arith.constant 0 : i32
      %dma_wait3A_160 = tpu.memref_slice %arg3[%dma_wait3A_158, %dma_wait3A_159] : memref<1000000x64xf32, #tpu.memory_space<hbm>> -> memref<1000000x64xf32, #tpu.memory_space<hbm>>
      %dma_wait3A_161 = tpu.memref_slice %arg13[%dma_wait3A_152] : memref<4x!tpu.dma_semaphore, #tpu.memory_space<semaphore_mem>> -> memref<1x!tpu.dma_semaphore, #tpu.memory_space<semaphore_mem>>
      %dma_wait3A_162 = tpu.memref_squeeze %dma_wait3A_161 : memref<1x!tpu.dma_semaphore, #tpu.memory_space<semaphore_mem>> -> memref<!tpu.dma_semaphore, #tpu.memory_space<semaphore_mem>>
      tpu.wait_indirect_dma semaphore(%dma_wait3A_162 : memref<!tpu.dma_semaphore, #tpu.memory_space<semaphore_mem>>) src(%dma_wait3A_160 : memref<1000000x64xf32, #tpu.memory_space<hbm>>) dst(%dma_wait3A_155 : memref<128x64xf32, #tpu.memory_space<vmem>>)
      %dma_wait3A_163 = arith.constant 1 : i32
      %dma_wait3A_164 = arith.constant 128 : i32
      %dma_wait3A_165 = arith.constant 0 : i32
      %dma_wait3A_166 = tpu.memref_slice %arg8[%dma_wait3A_164, %dma_wait3A_165] : memref<200x64xf32, #tpu.memory_space<vmem>> -> memref<72x64xf32, #tpu.memory_space<vmem>>
      %dma_wait3A_167 = arith.constant 128 : i32
      %dma_wait3A_168 = tpu.memref_slice %arg6[%dma_wait3A_167] : memref<25600xi32, #tpu.memory_space<vmem>> -> memref<72xi32, #tpu.memory_space<vmem>>
      %dma_wait3A_169 = arith.constant 0 : i32
      %dma_wait3A_170 = arith.constant 0 : i32
      %dma_wait3A_171 = tpu.memref_slice %arg3[%dma_wait3A_169, %dma_wait3A_170] : memref<1000000x64xf32, #tpu.memory_space<hbm>> -> memref<1000000x64xf32, #tpu.memory_space<hbm>>
      %dma_wait3A_172 = tpu.memref_slice %arg13[%dma_wait3A_163] : memref<4x!tpu.dma_semaphore, #tpu.memory_space<semaphore_mem>> -> memref<1x!tpu.dma_semaphore, #tpu.memory_space<semaphore_mem>>
      %dma_wait3A_173 = tpu.memref_squeeze %dma_wait3A_172 : memref<1x!tpu.dma_semaphore, #tpu.memory_space<semaphore_mem>> -> memref<!tpu.dma_semaphore, #tpu.memory_space<semaphore_mem>>
      tpu.wait_indirect_dma semaphore(%dma_wait3A_173 : memref<!tpu.dma_semaphore, #tpu.memory_space<semaphore_mem>>) src(%dma_wait3A_171 : memref<1000000x64xf32, #tpu.memory_space<hbm>>) dst(%dma_wait3A_166 : memref<72x64xf32, #tpu.memory_space<vmem>>)
      %mul3A_174 = arith.constant 200 : i32
      %mul3A_175 = arith.muli %add3A_151, %mul3A_174 : i32
      %add3A_176 = arith.addi %mul3A_2, %mul3A_175 : i32
      %dma_start3A_177 = arith.constant 1 : i32
      %dma_start3A_178 = arith.constant 0 : i32
      %dma_start3A_179 = tpu.memref_slice %arg5[%add3A_176, %dma_start3A_178] : memref<819200x128xf32, #tpu.memory_space<hbm>> -> memref<200x64xf32, #tpu.memory_space<hbm>>
      %dma_start3A_180 = tpu.memref_slice %arg14[%dma_start3A_177] : memref<4x!tpu.dma_semaphore, #tpu.memory_space<semaphore_mem>> -> memref<1x!tpu.dma_semaphore, #tpu.memory_space<semaphore_mem>>
      %dma_start3A_181 = tpu.memref_squeeze %dma_start3A_180 : memref<1x!tpu.dma_semaphore, #tpu.memory_space<semaphore_mem>> -> memref<!tpu.dma_semaphore, #tpu.memory_space<semaphore_mem>>
      %dma_start3A_182 = arith.constant 0 : i32
      %dma_start3A_183 = tpu.memref_slice %arg5[%add3A_176, %dma_start3A_182] : memref<819200x128xf32, #tpu.memory_space<hbm>> -> memref<200x64xf32, #tpu.memory_space<hbm>>
      tpu.enqueue_dma source(%arg8 : memref<200x64xf32, #tpu.memory_space<vmem>>) target(%dma_start3A_183 : memref<200x64xf32, #tpu.memory_space<hbm>>) target_semaphore(%dma_start3A_181 : memref<!tpu.dma_semaphore, #tpu.memory_space<semaphore_mem>>)
      %add3A_184 = arith.constant 3 : i32
      %add3A_185 = arith.addi %add3A_151, %add3A_184 : i32
      %lt3A_186 = arith.constant 128 : i32
      %lt3A_187 = arith.cmpi slt, %add3A_185, %lt3A_186 : i32
      %convert_element_type3A_188 = arith.extui %lt3A_187 : i1 to i32
      %cond3A_189 = arith.constant 0 : i32
      %cond3A_190 = arith.cmpi ne, %convert_element_type3A_188, %cond3A_189 : i32
      scf.if %cond3A_190 {
        %ge3A = arith.constant 1 : i32
        %ge3A_298 = arith.cmpi sge, %add3A_151, %ge3A : i32
        %convert_element_type3A_299 = arith.extui %ge3A_298 : i1 to i32
        %cond3A_300 = arith.constant 0 : i32
        %cond3A_301 = arith.cmpi ne, %convert_element_type3A_299, %cond3A_300 : i32
        scf.if %cond3A_301 {
          %dma_wait3A_305 = arith.constant 0 : i32
          %dma_wait3A_306 = arith.constant 0 : i32
          %dma_wait3A_307 = tpu.memref_slice %arg5[%mul3A_2, %dma_wait3A_306] : memref<819200x128xf32, #tpu.memory_space<hbm>> -> memref<200x64xf32, #tpu.memory_space<hbm>>
          %dma_wait3A_308 = tpu.memref_slice %arg14[%dma_wait3A_305] : memref<4x!tpu.dma_semaphore, #tpu.memory_space<semaphore_mem>> -> memref<1x!tpu.dma_semaphore, #tpu.memory_space<semaphore_mem>>
          %dma_wait3A_309 = tpu.memref_squeeze %dma_wait3A_308 : memref<1x!tpu.dma_semaphore, #tpu.memory_space<semaphore_mem>> -> memref<!tpu.dma_semaphore, #tpu.memory_space<semaphore_mem>>
          %dma_wait3A_310 = arith.constant 0 : i32
          %dma_wait3A_311 = tpu.memref_slice %arg5[%mul3A_2, %dma_wait3A_310] : memref<819200x128xf32, #tpu.memory_space<hbm>> -> memref<200x64xf32, #tpu.memory_space<hbm>>
          tpu.wait_dma2 semaphore(%dma_wait3A_309 : memref<!tpu.dma_semaphore, #tpu.memory_space<semaphore_mem>>) src(%arg7 : memref<200x64xf32, #tpu.memory_space<vmem>>) dst(%dma_wait3A_311 : memref<200x64xf32, #tpu.memory_space<hbm>>)
        } else {
        }
        %dma_start3A_302 = arith.constant 0 : i32
        %dma_start3A_303 = tpu.memref_slice %arg12[%dma_start3A_302] : memref<4x!tpu.dma_semaphore, #tpu.memory_space<semaphore_mem>> -> memref<1x!tpu.dma_semaphore, #tpu.memory_space<semaphore_mem>>
        %dma_start3A_304 = tpu.memref_squeeze %dma_start3A_303 : memref<1x!tpu.dma_semaphore, #tpu.memory_space<semaphore_mem>> -> memref<!tpu.dma_semaphore, #tpu.memory_space<semaphore_mem>>
        tpu.enqueue_dma source(%arg11 : memref<200x64xf32, #tpu.memory_space<vmem_shared>>) target(%arg7 : memref<200x64xf32, #tpu.memory_space<vmem>>) target_semaphore(%dma_start3A_304 : memref<!tpu.dma_semaphore, #tpu.memory_space<semaphore_mem>>)
      } else {
      }
      %add3A_191 = arith.constant 2 : i32
      %add3A_192 = arith.addi %add3A_151, %add3A_191 : i32
      %lt3A_193 = arith.constant 128 : i32
      %lt3A_194 = arith.cmpi slt, %add3A_192, %lt3A_193 : i32
      %convert_element_type3A_195 = arith.extui %lt3A_194 : i1 to i32
      %cond3A_196 = arith.constant 0 : i32
      %cond3A_197 = arith.cmpi ne, %convert_element_type3A_195, %cond3A_196 : i32
      scf.if %cond3A_197 {
        %dma_wait3A_298 = arith.constant 3 : i32
        %dma_wait3A_299 = tpu.memref_slice %arg12[%dma_wait3A_298] : memref<4x!tpu.dma_semaphore, #tpu.memory_space<semaphore_mem>> -> memref<1x!tpu.dma_semaphore, #tpu.memory_space<semaphore_mem>>
        %dma_wait3A_300 = tpu.memref_squeeze %dma_wait3A_299 : memref<1x!tpu.dma_semaphore, #tpu.memory_space<semaphore_mem>> -> memref<!tpu.dma_semaphore, #tpu.memory_space<semaphore_mem>>
        tpu.wait_dma2 semaphore(%dma_wait3A_300 : memref<!tpu.dma_semaphore, #tpu.memory_space<semaphore_mem>>) src(%arg11 : memref<200x64xf32, #tpu.memory_space<vmem_shared>>) dst(%arg10 : memref<200x64xf32, #tpu.memory_space<vmem>>)
        %add3A_301 = arith.constant 2 : i32
        %add3A_302 = arith.addi %add3A_151, %add3A_301 : i32
        %mul3A_303 = arith.constant 200 : i32
        %mul3A_304 = arith.muli %add3A_302, %mul3A_303 : i32
        %add3A_305 = arith.constant 0 : i32
        %add3A_306 = arith.addi %mul3A_304, %add3A_305 : i32
        %dma_start3A_307 = arith.constant 3 : i32
        %dma_start3A_308 = arith.constant 0 : i32
        %dma_start3A_309 = arith.constant 0 : i32
        %dma_start3A_310 = tpu.memref_slice %arg10[%dma_start3A_308, %dma_start3A_309] : memref<200x64xf32, #tpu.memory_space<vmem>> -> memref<128x64xf32, #tpu.memory_space<vmem>>
        %dma_start3A_311 = tpu.memref_slice %arg6[%add3A_306] : memref<25600xi32, #tpu.memory_space<vmem>> -> memref<128xi32, #tpu.memory_space<vmem>>
        %dma_start3A_312 = arith.constant 0 : i32
        %dma_start3A_313 = arith.constant 0 : i32
        %dma_start3A_314 = tpu.memref_slice %arg3[%dma_start3A_312, %dma_start3A_313] : memref<1000000x64xf32, #tpu.memory_space<hbm>> -> memref<1000000x64xf32, #tpu.memory_space<hbm>>
        %dma_start3A_315 = tpu.memref_slice %arg13[%dma_start3A_307] : memref<4x!tpu.dma_semaphore, #tpu.memory_space<semaphore_mem>> -> memref<1x!tpu.dma_semaphore, #tpu.memory_space<semaphore_mem>>
        %dma_start3A_316 = tpu.memref_squeeze %dma_start3A_315 : memref<1x!tpu.dma_semaphore, #tpu.memory_space<semaphore_mem>> -> memref<!tpu.dma_semaphore, #tpu.memory_space<semaphore_mem>>
        tpu.enqueue_indirect_dma source(%dma_start3A_314 : memref<1000000x64xf32, #tpu.memory_space<hbm>>) target(%dma_start3A_310 : memref<128x64xf32, #tpu.memory_space<vmem>>) offsets(%dma_start3A_311 : memref<128xi32, #tpu.memory_space<vmem>>) semaphore(%dma_start3A_316 : memref<!tpu.dma_semaphore, #tpu.memory_space<semaphore_mem>>) {add = true}
        %add3A_317 = arith.constant 128 : i32
        %add3A_318 = arith.addi %mul3A_304, %add3A_317 : i32
        %dma_start3A_319 = arith.constant 3 : i32
        %dma_start3A_320 = arith.constant 128 : i32
        %dma_start3A_321 = arith.constant 0 : i32
        %dma_start3A_322 = tpu.memref_slice %arg10[%dma_start3A_320, %dma_start3A_321] : memref<200x64xf32, #tpu.memory_space<vmem>> -> memref<72x64xf32, #tpu.memory_space<vmem>>
        %dma_start3A_323 = tpu.memref_slice %arg6[%add3A_318] : memref<25600xi32, #tpu.memory_space<vmem>> -> memref<72xi32, #tpu.memory_space<vmem>>
        %dma_start3A_324 = arith.constant 0 : i32
        %dma_start3A_325 = arith.constant 0 : i32
        %dma_start3A_326 = tpu.memref_slice %arg3[%dma_start3A_324, %dma_start3A_325] : memref<1000000x64xf32, #tpu.memory_space<hbm>> -> memref<1000000x64xf32, #tpu.memory_space<hbm>>
        %dma_start3A_327 = tpu.memref_slice %arg13[%dma_start3A_319] : memref<4x!tpu.dma_semaphore, #tpu.memory_space<semaphore_mem>> -> memref<1x!tpu.dma_semaphore, #tpu.memory_space<semaphore_mem>>
        %dma_start3A_328 = tpu.memref_squeeze %dma_start3A_327 : memref<1x!tpu.dma_semaphore, #tpu.memory_space<semaphore_mem>> -> memref<!tpu.dma_semaphore, #tpu.memory_space<semaphore_mem>>
        tpu.enqueue_indirect_dma source(%dma_start3A_326 : memref<1000000x64xf32, #tpu.memory_space<hbm>>) target(%dma_start3A_322 : memref<72x64xf32, #tpu.memory_space<vmem>>) offsets(%dma_start3A_323 : memref<72xi32, #tpu.memory_space<vmem>>) semaphore(%dma_start3A_328 : memref<!tpu.dma_semaphore, #tpu.memory_space<semaphore_mem>>) {add = true}
      } else {
      }
      %mul3A_198 = arith.constant 4 : i32
      %mul3A_199 = arith.muli %add3A_98, %mul3A_198 : i32
      %add3A_200 = arith.constant 2 : i32
      %add3A_201 = arith.addi %mul3A_199, %add3A_200 : i32
      %dma_wait3A_202 = arith.constant 2 : i32
      %dma_wait3A_203 = arith.constant 0 : i32
      %dma_wait3A_204 = arith.constant 0 : i32
      %dma_wait3A_205 = tpu.memref_slice %arg9[%dma_wait3A_203, %dma_wait3A_204] : memref<200x64xf32, #tpu.memory_space<vmem>> -> memref<128x64xf32, #tpu.memory_space<vmem>>
      %dma_wait3A_206 = arith.constant 0 : i32
      %dma_wait3A_207 = tpu.memref_slice %arg6[%dma_wait3A_206] : memref<25600xi32, #tpu.memory_space<vmem>> -> memref<128xi32, #tpu.memory_space<vmem>>
      %dma_wait3A_208 = arith.constant 0 : i32
      %dma_wait3A_209 = arith.constant 0 : i32
      %dma_wait3A_210 = tpu.memref_slice %arg3[%dma_wait3A_208, %dma_wait3A_209] : memref<1000000x64xf32, #tpu.memory_space<hbm>> -> memref<1000000x64xf32, #tpu.memory_space<hbm>>
      %dma_wait3A_211 = tpu.memref_slice %arg13[%dma_wait3A_202] : memref<4x!tpu.dma_semaphore, #tpu.memory_space<semaphore_mem>> -> memref<1x!tpu.dma_semaphore, #tpu.memory_space<semaphore_mem>>
      %dma_wait3A_212 = tpu.memref_squeeze %dma_wait3A_211 : memref<1x!tpu.dma_semaphore, #tpu.memory_space<semaphore_mem>> -> memref<!tpu.dma_semaphore, #tpu.memory_space<semaphore_mem>>
      tpu.wait_indirect_dma semaphore(%dma_wait3A_212 : memref<!tpu.dma_semaphore, #tpu.memory_space<semaphore_mem>>) src(%dma_wait3A_210 : memref<1000000x64xf32, #tpu.memory_space<hbm>>) dst(%dma_wait3A_205 : memref<128x64xf32, #tpu.memory_space<vmem>>)
      %dma_wait3A_213 = arith.constant 2 : i32
      %dma_wait3A_214 = arith.constant 128 : i32
      %dma_wait3A_215 = arith.constant 0 : i32
      %dma_wait3A_216 = tpu.memref_slice %arg9[%dma_wait3A_214, %dma_wait3A_215] : memref<200x64xf32, #tpu.memory_space<vmem>> -> memref<72x64xf32, #tpu.memory_space<vmem>>
      %dma_wait3A_217 = arith.constant 128 : i32
      %dma_wait3A_218 = tpu.memref_slice %arg6[%dma_wait3A_217] : memref<25600xi32, #tpu.memory_space<vmem>> -> memref<72xi32, #tpu.memory_space<vmem>>
      %dma_wait3A_219 = arith.constant 0 : i32
      %dma_wait3A_220 = arith.constant 0 : i32
      %dma_wait3A_221 = tpu.memref_slice %arg3[%dma_wait3A_219, %dma_wait3A_220] : memref<1000000x64xf32, #tpu.memory_space<hbm>> -> memref<1000000x64xf32, #tpu.memory_space<hbm>>
      %dma_wait3A_222 = tpu.memref_slice %arg13[%dma_wait3A_213] : memref<4x!tpu.dma_semaphore, #tpu.memory_space<semaphore_mem>> -> memref<1x!tpu.dma_semaphore, #tpu.memory_space<semaphore_mem>>
      %dma_wait3A_223 = tpu.memref_squeeze %dma_wait3A_222 : memref<1x!tpu.dma_semaphore, #tpu.memory_space<semaphore_mem>> -> memref<!tpu.dma_semaphore, #tpu.memory_space<semaphore_mem>>
      tpu.wait_indirect_dma semaphore(%dma_wait3A_223 : memref<!tpu.dma_semaphore, #tpu.memory_space<semaphore_mem>>) src(%dma_wait3A_221 : memref<1000000x64xf32, #tpu.memory_space<hbm>>) dst(%dma_wait3A_216 : memref<72x64xf32, #tpu.memory_space<vmem>>)
      %mul3A_224 = arith.constant 200 : i32
      %mul3A_225 = arith.muli %add3A_201, %mul3A_224 : i32
      %add3A_226 = arith.addi %mul3A_2, %mul3A_225 : i32
      %dma_start3A_227 = arith.constant 2 : i32
      %dma_start3A_228 = arith.constant 0 : i32
      %dma_start3A_229 = tpu.memref_slice %arg5[%add3A_226, %dma_start3A_228] : memref<819200x128xf32, #tpu.memory_space<hbm>> -> memref<200x64xf32, #tpu.memory_space<hbm>>
      %dma_start3A_230 = tpu.memref_slice %arg14[%dma_start3A_227] : memref<4x!tpu.dma_semaphore, #tpu.memory_space<semaphore_mem>> -> memref<1x!tpu.dma_semaphore, #tpu.memory_space<semaphore_mem>>
      %dma_start3A_231 = tpu.memref_squeeze %dma_start3A_230 : memref<1x!tpu.dma_semaphore, #tpu.memory_space<semaphore_mem>> -> memref<!tpu.dma_semaphore, #tpu.memory_space<semaphore_mem>>
      %dma_start3A_232 = arith.constant 0 : i32
      %dma_start3A_233 = tpu.memref_slice %arg5[%add3A_226, %dma_start3A_232] : memref<819200x128xf32, #tpu.memory_space<hbm>> -> memref<200x64xf32, #tpu.memory_space<hbm>>
      tpu.enqueue_dma source(%arg9 : memref<200x64xf32, #tpu.memory_space<vmem>>) target(%dma_start3A_233 : memref<200x64xf32, #tpu.memory_space<hbm>>) target_semaphore(%dma_start3A_231 : memref<!tpu.dma_semaphore, #tpu.memory_space<semaphore_mem>>)
      %add3A_234 = arith.constant 3 : i32
      %add3A_235 = arith.addi %add3A_201, %add3A_234 : i32
      %lt3A_236 = arith.constant 128 : i32
      %lt3A_237 = arith.cmpi slt, %add3A_235, %lt3A_236 : i32
      %convert_element_type3A_238 = arith.extui %lt3A_237 : i1 to i32
      %cond3A_239 = arith.constant 0 : i32
      %cond3A_240 = arith.cmpi ne, %convert_element_type3A_238, %cond3A_239 : i32
      scf.if %cond3A_240 {
        %ge3A = arith.constant 1 : i32
        %ge3A_298 = arith.cmpi sge, %add3A_201, %ge3A : i32
        %convert_element_type3A_299 = arith.extui %ge3A_298 : i1 to i32
        %cond3A_300 = arith.constant 0 : i32
        %cond3A_301 = arith.cmpi ne, %convert_element_type3A_299, %cond3A_300 : i32
        scf.if %cond3A_301 {
          %dma_wait3A_305 = arith.constant 1 : i32
          %dma_wait3A_306 = arith.constant 0 : i32
          %dma_wait3A_307 = tpu.memref_slice %arg5[%mul3A_2, %dma_wait3A_306] : memref<819200x128xf32, #tpu.memory_space<hbm>> -> memref<200x64xf32, #tpu.memory_space<hbm>>
          %dma_wait3A_308 = tpu.memref_slice %arg14[%dma_wait3A_305] : memref<4x!tpu.dma_semaphore, #tpu.memory_space<semaphore_mem>> -> memref<1x!tpu.dma_semaphore, #tpu.memory_space<semaphore_mem>>
          %dma_wait3A_309 = tpu.memref_squeeze %dma_wait3A_308 : memref<1x!tpu.dma_semaphore, #tpu.memory_space<semaphore_mem>> -> memref<!tpu.dma_semaphore, #tpu.memory_space<semaphore_mem>>
          %dma_wait3A_310 = arith.constant 0 : i32
          %dma_wait3A_311 = tpu.memref_slice %arg5[%mul3A_2, %dma_wait3A_310] : memref<819200x128xf32, #tpu.memory_space<hbm>> -> memref<200x64xf32, #tpu.memory_space<hbm>>
          tpu.wait_dma2 semaphore(%dma_wait3A_309 : memref<!tpu.dma_semaphore, #tpu.memory_space<semaphore_mem>>) src(%arg8 : memref<200x64xf32, #tpu.memory_space<vmem>>) dst(%dma_wait3A_311 : memref<200x64xf32, #tpu.memory_space<hbm>>)
        } else {
        }
        %dma_start3A_302 = arith.constant 1 : i32
        %dma_start3A_303 = tpu.memref_slice %arg12[%dma_start3A_302] : memref<4x!tpu.dma_semaphore, #tpu.memory_space<semaphore_mem>> -> memref<1x!tpu.dma_semaphore, #tpu.memory_space<semaphore_mem>>
        %dma_start3A_304 = tpu.memref_squeeze %dma_start3A_303 : memref<1x!tpu.dma_semaphore, #tpu.memory_space<semaphore_mem>> -> memref<!tpu.dma_semaphore, #tpu.memory_space<semaphore_mem>>
        tpu.enqueue_dma source(%arg11 : memref<200x64xf32, #tpu.memory_space<vmem_shared>>) target(%arg8 : memref<200x64xf32, #tpu.memory_space<vmem>>) target_semaphore(%dma_start3A_304 : memref<!tpu.dma_semaphore, #tpu.memory_space<semaphore_mem>>)
      } else {
      }
      %add3A_241 = arith.constant 2 : i32
      %add3A_242 = arith.addi %add3A_201, %add3A_241 : i32
      %lt3A_243 = arith.constant 128 : i32
      %lt3A_244 = arith.cmpi slt, %add3A_242, %lt3A_243 : i32
      %convert_element_type3A_245 = arith.extui %lt3A_244 : i1 to i32
      %cond3A_246 = arith.constant 0 : i32
      %cond3A_247 = arith.cmpi ne, %convert_element_type3A_245, %cond3A_246 : i32
      scf.if %cond3A_247 {
        %dma_wait3A_298 = arith.constant 0 : i32
        %dma_wait3A_299 = tpu.memref_slice %arg12[%dma_wait3A_298] : memref<4x!tpu.dma_semaphore, #tpu.memory_space<semaphore_mem>> -> memref<1x!tpu.dma_semaphore, #tpu.memory_space<semaphore_mem>>
        %dma_wait3A_300 = tpu.memref_squeeze %dma_wait3A_299 : memref<1x!tpu.dma_semaphore, #tpu.memory_space<semaphore_mem>> -> memref<!tpu.dma_semaphore, #tpu.memory_space<semaphore_mem>>
        tpu.wait_dma2 semaphore(%dma_wait3A_300 : memref<!tpu.dma_semaphore, #tpu.memory_space<semaphore_mem>>) src(%arg11 : memref<200x64xf32, #tpu.memory_space<vmem_shared>>) dst(%arg7 : memref<200x64xf32, #tpu.memory_space<vmem>>)
        %add3A_301 = arith.constant 2 : i32
        %add3A_302 = arith.addi %add3A_201, %add3A_301 : i32
        %mul3A_303 = arith.constant 200 : i32
        %mul3A_304 = arith.muli %add3A_302, %mul3A_303 : i32
        %add3A_305 = arith.constant 0 : i32
        %add3A_306 = arith.addi %mul3A_304, %add3A_305 : i32
        %dma_start3A_307 = arith.constant 0 : i32
        %dma_start3A_308 = arith.constant 0 : i32
        %dma_start3A_309 = arith.constant 0 : i32
        %dma_start3A_310 = tpu.memref_slice %arg7[%dma_start3A_308, %dma_start3A_309] : memref<200x64xf32, #tpu.memory_space<vmem>> -> memref<128x64xf32, #tpu.memory_space<vmem>>
        %dma_start3A_311 = tpu.memref_slice %arg6[%add3A_306] : memref<25600xi32, #tpu.memory_space<vmem>> -> memref<128xi32, #tpu.memory_space<vmem>>
        %dma_start3A_312 = arith.constant 0 : i32
        %dma_start3A_313 = arith.constant 0 : i32
        %dma_start3A_314 = tpu.memref_slice %arg3[%dma_start3A_312, %dma_start3A_313] : memref<1000000x64xf32, #tpu.memory_space<hbm>> -> memref<1000000x64xf32, #tpu.memory_space<hbm>>
        %dma_start3A_315 = tpu.memref_slice %arg13[%dma_start3A_307] : memref<4x!tpu.dma_semaphore, #tpu.memory_space<semaphore_mem>> -> memref<1x!tpu.dma_semaphore, #tpu.memory_space<semaphore_mem>>
        %dma_start3A_316 = tpu.memref_squeeze %dma_start3A_315 : memref<1x!tpu.dma_semaphore, #tpu.memory_space<semaphore_mem>> -> memref<!tpu.dma_semaphore, #tpu.memory_space<semaphore_mem>>
        tpu.enqueue_indirect_dma source(%dma_start3A_314 : memref<1000000x64xf32, #tpu.memory_space<hbm>>) target(%dma_start3A_310 : memref<128x64xf32, #tpu.memory_space<vmem>>) offsets(%dma_start3A_311 : memref<128xi32, #tpu.memory_space<vmem>>) semaphore(%dma_start3A_316 : memref<!tpu.dma_semaphore, #tpu.memory_space<semaphore_mem>>) {add = true}
        %add3A_317 = arith.constant 128 : i32
        %add3A_318 = arith.addi %mul3A_304, %add3A_317 : i32
        %dma_start3A_319 = arith.constant 0 : i32
        %dma_start3A_320 = arith.constant 128 : i32
        %dma_start3A_321 = arith.constant 0 : i32
        %dma_start3A_322 = tpu.memref_slice %arg7[%dma_start3A_320, %dma_start3A_321] : memref<200x64xf32, #tpu.memory_space<vmem>> -> memref<72x64xf32, #tpu.memory_space<vmem>>
        %dma_start3A_323 = tpu.memref_slice %arg6[%add3A_318] : memref<25600xi32, #tpu.memory_space<vmem>> -> memref<72xi32, #tpu.memory_space<vmem>>
        %dma_start3A_324 = arith.constant 0 : i32
        %dma_start3A_325 = arith.constant 0 : i32
        %dma_start3A_326 = tpu.memref_slice %arg3[%dma_start3A_324, %dma_start3A_325] : memref<1000000x64xf32, #tpu.memory_space<hbm>> -> memref<1000000x64xf32, #tpu.memory_space<hbm>>
        %dma_start3A_327 = tpu.memref_slice %arg13[%dma_start3A_319] : memref<4x!tpu.dma_semaphore, #tpu.memory_space<semaphore_mem>> -> memref<1x!tpu.dma_semaphore, #tpu.memory_space<semaphore_mem>>
        %dma_start3A_328 = tpu.memref_squeeze %dma_start3A_327 : memref<1x!tpu.dma_semaphore, #tpu.memory_space<semaphore_mem>> -> memref<!tpu.dma_semaphore, #tpu.memory_space<semaphore_mem>>
        tpu.enqueue_indirect_dma source(%dma_start3A_326 : memref<1000000x64xf32, #tpu.memory_space<hbm>>) target(%dma_start3A_322 : memref<72x64xf32, #tpu.memory_space<vmem>>) offsets(%dma_start3A_323 : memref<72xi32, #tpu.memory_space<vmem>>) semaphore(%dma_start3A_328 : memref<!tpu.dma_semaphore, #tpu.memory_space<semaphore_mem>>) {add = true}
      } else {
      }
      %mul3A_248 = arith.constant 4 : i32
      %mul3A_249 = arith.muli %add3A_98, %mul3A_248 : i32
      %add3A_250 = arith.constant 3 : i32
      %add3A_251 = arith.addi %mul3A_249, %add3A_250 : i32
      %dma_wait3A_252 = arith.constant 3 : i32
      %dma_wait3A_253 = arith.constant 0 : i32
      %dma_wait3A_254 = arith.constant 0 : i32
      %dma_wait3A_255 = tpu.memref_slice %arg10[%dma_wait3A_253, %dma_wait3A_254] : memref<200x64xf32, #tpu.memory_space<vmem>> -> memref<128x64xf32, #tpu.memory_space<vmem>>
      %dma_wait3A_256 = arith.constant 0 : i32
      %dma_wait3A_257 = tpu.memref_slice %arg6[%dma_wait3A_256] : memref<25600xi32, #tpu.memory_space<vmem>> -> memref<128xi32, #tpu.memory_space<vmem>>
      %dma_wait3A_258 = arith.constant 0 : i32
      %dma_wait3A_259 = arith.constant 0 : i32
      %dma_wait3A_260 = tpu.memref_slice %arg3[%dma_wait3A_258, %dma_wait3A_259] : memref<1000000x64xf32, #tpu.memory_space<hbm>> -> memref<1000000x64xf32, #tpu.memory_space<hbm>>
      %dma_wait3A_261 = tpu.memref_slice %arg13[%dma_wait3A_252] : memref<4x!tpu.dma_semaphore, #tpu.memory_space<semaphore_mem>> -> memref<1x!tpu.dma_semaphore, #tpu.memory_space<semaphore_mem>>
      %dma_wait3A_262 = tpu.memref_squeeze %dma_wait3A_261 : memref<1x!tpu.dma_semaphore, #tpu.memory_space<semaphore_mem>> -> memref<!tpu.dma_semaphore, #tpu.memory_space<semaphore_mem>>
      tpu.wait_indirect_dma semaphore(%dma_wait3A_262 : memref<!tpu.dma_semaphore, #tpu.memory_space<semaphore_mem>>) src(%dma_wait3A_260 : memref<1000000x64xf32, #tpu.memory_space<hbm>>) dst(%dma_wait3A_255 : memref<128x64xf32, #tpu.memory_space<vmem>>)
      %dma_wait3A_263 = arith.constant 3 : i32
      %dma_wait3A_264 = arith.constant 128 : i32
      %dma_wait3A_265 = arith.constant 0 : i32
      %dma_wait3A_266 = tpu.memref_slice %arg10[%dma_wait3A_264, %dma_wait3A_265] : memref<200x64xf32, #tpu.memory_space<vmem>> -> memref<72x64xf32, #tpu.memory_space<vmem>>
      %dma_wait3A_267 = arith.constant 128 : i32
      %dma_wait3A_268 = tpu.memref_slice %arg6[%dma_wait3A_267] : memref<25600xi32, #tpu.memory_space<vmem>> -> memref<72xi32, #tpu.memory_space<vmem>>
      %dma_wait3A_269 = arith.constant 0 : i32
      %dma_wait3A_270 = arith.constant 0 : i32
      %dma_wait3A_271 = tpu.memref_slice %arg3[%dma_wait3A_269, %dma_wait3A_270] : memref<1000000x64xf32, #tpu.memory_space<hbm>> -> memref<1000000x64xf32, #tpu.memory_space<hbm>>
      %dma_wait3A_272 = tpu.memref_slice %arg13[%dma_wait3A_263] : memref<4x!tpu.dma_semaphore, #tpu.memory_space<semaphore_mem>> -> memref<1x!tpu.dma_semaphore, #tpu.memory_space<semaphore_mem>>
      %dma_wait3A_273 = tpu.memref_squeeze %dma_wait3A_272 : memref<1x!tpu.dma_semaphore, #tpu.memory_space<semaphore_mem>> -> memref<!tpu.dma_semaphore, #tpu.memory_space<semaphore_mem>>
      tpu.wait_indirect_dma semaphore(%dma_wait3A_273 : memref<!tpu.dma_semaphore, #tpu.memory_space<semaphore_mem>>) src(%dma_wait3A_271 : memref<1000000x64xf32, #tpu.memory_space<hbm>>) dst(%dma_wait3A_266 : memref<72x64xf32, #tpu.memory_space<vmem>>)
      %mul3A_274 = arith.constant 200 : i32
      %mul3A_275 = arith.muli %add3A_251, %mul3A_274 : i32
      %add3A_276 = arith.addi %mul3A_2, %mul3A_275 : i32
      %dma_start3A_277 = arith.constant 3 : i32
      %dma_start3A_278 = arith.constant 0 : i32
      %dma_start3A_279 = tpu.memref_slice %arg5[%add3A_276, %dma_start3A_278] : memref<819200x128xf32, #tpu.memory_space<hbm>> -> memref<200x64xf32, #tpu.memory_space<hbm>>
      %dma_start3A_280 = tpu.memref_slice %arg14[%dma_start3A_277] : memref<4x!tpu.dma_semaphore, #tpu.memory_space<semaphore_mem>> -> memref<1x!tpu.dma_semaphore, #tpu.memory_space<semaphore_mem>>
      %dma_start3A_281 = tpu.memref_squeeze %dma_start3A_280 : memref<1x!tpu.dma_semaphore, #tpu.memory_space<semaphore_mem>> -> memref<!tpu.dma_semaphore, #tpu.memory_space<semaphore_mem>>
      %dma_start3A_282 = arith.constant 0 : i32
      %dma_start3A_283 = tpu.memref_slice %arg5[%add3A_276, %dma_start3A_282] : memref<819200x128xf32, #tpu.memory_space<hbm>> -> memref<200x64xf32, #tpu.memory_space<hbm>>
      tpu.enqueue_dma source(%arg10 : memref<200x64xf32, #tpu.memory_space<vmem>>) target(%dma_start3A_283 : memref<200x64xf32, #tpu.memory_space<hbm>>) target_semaphore(%dma_start3A_281 : memref<!tpu.dma_semaphore, #tpu.memory_space<semaphore_mem>>)
      %add3A_284 = arith.constant 3 : i32
      %add3A_285 = arith.addi %add3A_251, %add3A_284 : i32
      %lt3A_286 = arith.constant 128 : i32
      %lt3A_287 = arith.cmpi slt, %add3A_285, %lt3A_286 : i32
      %convert_element_type3A_288 = arith.extui %lt3A_287 : i1 to i32
      %cond3A_289 = arith.constant 0 : i32
      %cond3A_290 = arith.cmpi ne, %convert_element_type3A_288, %cond3A_289 : i32
      scf.if %cond3A_290 {
        %ge3A = arith.constant 1 : i32
        %ge3A_298 = arith.cmpi sge, %add3A_251, %ge3A : i32
        %convert_element_type3A_299 = arith.extui %ge3A_298 : i1 to i32
        %cond3A_300 = arith.constant 0 : i32
        %cond3A_301 = arith.cmpi ne, %convert_element_type3A_299, %cond3A_300 : i32
        scf.if %cond3A_301 {
          %dma_wait3A_305 = arith.constant 2 : i32
          %dma_wait3A_306 = arith.constant 0 : i32
          %dma_wait3A_307 = tpu.memref_slice %arg5[%mul3A_2, %dma_wait3A_306] : memref<819200x128xf32, #tpu.memory_space<hbm>> -> memref<200x64xf32, #tpu.memory_space<hbm>>
          %dma_wait3A_308 = tpu.memref_slice %arg14[%dma_wait3A_305] : memref<4x!tpu.dma_semaphore, #tpu.memory_space<semaphore_mem>> -> memref<1x!tpu.dma_semaphore, #tpu.memory_space<semaphore_mem>>
          %dma_wait3A_309 = tpu.memref_squeeze %dma_wait3A_308 : memref<1x!tpu.dma_semaphore, #tpu.memory_space<semaphore_mem>> -> memref<!tpu.dma_semaphore, #tpu.memory_space<semaphore_mem>>
          %dma_wait3A_310 = arith.constant 0 : i32
          %dma_wait3A_311 = tpu.memref_slice %arg5[%mul3A_2, %dma_wait3A_310] : memref<819200x128xf32, #tpu.memory_space<hbm>> -> memref<200x64xf32, #tpu.memory_space<hbm>>
          tpu.wait_dma2 semaphore(%dma_wait3A_309 : memref<!tpu.dma_semaphore, #tpu.memory_space<semaphore_mem>>) src(%arg9 : memref<200x64xf32, #tpu.memory_space<vmem>>) dst(%dma_wait3A_311 : memref<200x64xf32, #tpu.memory_space<hbm>>)
        } else {
        }
        %dma_start3A_302 = arith.constant 2 : i32
        %dma_start3A_303 = tpu.memref_slice %arg12[%dma_start3A_302] : memref<4x!tpu.dma_semaphore, #tpu.memory_space<semaphore_mem>> -> memref<1x!tpu.dma_semaphore, #tpu.memory_space<semaphore_mem>>
        %dma_start3A_304 = tpu.memref_squeeze %dma_start3A_303 : memref<1x!tpu.dma_semaphore, #tpu.memory_space<semaphore_mem>> -> memref<!tpu.dma_semaphore, #tpu.memory_space<semaphore_mem>>
        tpu.enqueue_dma source(%arg11 : memref<200x64xf32, #tpu.memory_space<vmem_shared>>) target(%arg9 : memref<200x64xf32, #tpu.memory_space<vmem>>) target_semaphore(%dma_start3A_304 : memref<!tpu.dma_semaphore, #tpu.memory_space<semaphore_mem>>)
      } else {
      }
      %add3A_291 = arith.constant 2 : i32
      %add3A_292 = arith.addi %add3A_251, %add3A_291 : i32
      %lt3A_293 = arith.constant 128 : i32
      %lt3A_294 = arith.cmpi slt, %add3A_292, %lt3A_293 : i32
      %convert_element_type3A_295 = arith.extui %lt3A_294 : i1 to i32
      %cond3A_296 = arith.constant 0 : i32
      %cond3A_297 = arith.cmpi ne, %convert_element_type3A_295, %cond3A_296 : i32
      scf.if %cond3A_297 {
        %dma_wait3A_298 = arith.constant 1 : i32
        %dma_wait3A_299 = tpu.memref_slice %arg12[%dma_wait3A_298] : memref<4x!tpu.dma_semaphore, #tpu.memory_space<semaphore_mem>> -> memref<1x!tpu.dma_semaphore, #tpu.memory_space<semaphore_mem>>
        %dma_wait3A_300 = tpu.memref_squeeze %dma_wait3A_299 : memref<1x!tpu.dma_semaphore, #tpu.memory_space<semaphore_mem>> -> memref<!tpu.dma_semaphore, #tpu.memory_space<semaphore_mem>>
        tpu.wait_dma2 semaphore(%dma_wait3A_300 : memref<!tpu.dma_semaphore, #tpu.memory_space<semaphore_mem>>) src(%arg11 : memref<200x64xf32, #tpu.memory_space<vmem_shared>>) dst(%arg8 : memref<200x64xf32, #tpu.memory_space<vmem>>)
        %add3A_301 = arith.constant 2 : i32
        %add3A_302 = arith.addi %add3A_251, %add3A_301 : i32
        %mul3A_303 = arith.constant 200 : i32
        %mul3A_304 = arith.muli %add3A_302, %mul3A_303 : i32
        %add3A_305 = arith.constant 0 : i32
        %add3A_306 = arith.addi %mul3A_304, %add3A_305 : i32
        %dma_start3A_307 = arith.constant 1 : i32
        %dma_start3A_308 = arith.constant 0 : i32
        %dma_start3A_309 = arith.constant 0 : i32
        %dma_start3A_310 = tpu.memref_slice %arg8[%dma_start3A_308, %dma_start3A_309] : memref<200x64xf32, #tpu.memory_space<vmem>> -> memref<128x64xf32, #tpu.memory_space<vmem>>
        %dma_start3A_311 = tpu.memref_slice %arg6[%add3A_306] : memref<25600xi32, #tpu.memory_space<vmem>> -> memref<128xi32, #tpu.memory_space<vmem>>
        %dma_start3A_312 = arith.constant 0 : i32
        %dma_start3A_313 = arith.constant 0 : i32
        %dma_start3A_314 = tpu.memref_slice %arg3[%dma_start3A_312, %dma_start3A_313] : memref<1000000x64xf32, #tpu.memory_space<hbm>> -> memref<1000000x64xf32, #tpu.memory_space<hbm>>
        %dma_start3A_315 = tpu.memref_slice %arg13[%dma_start3A_307] : memref<4x!tpu.dma_semaphore, #tpu.memory_space<semaphore_mem>> -> memref<1x!tpu.dma_semaphore, #tpu.memory_space<semaphore_mem>>
        %dma_start3A_316 = tpu.memref_squeeze %dma_start3A_315 : memref<1x!tpu.dma_semaphore, #tpu.memory_space<semaphore_mem>> -> memref<!tpu.dma_semaphore, #tpu.memory_space<semaphore_mem>>
        tpu.enqueue_indirect_dma source(%dma_start3A_314 : memref<1000000x64xf32, #tpu.memory_space<hbm>>) target(%dma_start3A_310 : memref<128x64xf32, #tpu.memory_space<vmem>>) offsets(%dma_start3A_311 : memref<128xi32, #tpu.memory_space<vmem>>) semaphore(%dma_start3A_316 : memref<!tpu.dma_semaphore, #tpu.memory_space<semaphore_mem>>) {add = true}
        %add3A_317 = arith.constant 128 : i32
        %add3A_318 = arith.addi %mul3A_304, %add3A_317 : i32
        %dma_start3A_319 = arith.constant 1 : i32
        %dma_start3A_320 = arith.constant 128 : i32
        %dma_start3A_321 = arith.constant 0 : i32
        %dma_start3A_322 = tpu.memref_slice %arg8[%dma_start3A_320, %dma_start3A_321] : memref<200x64xf32, #tpu.memory_space<vmem>> -> memref<72x64xf32, #tpu.memory_space<vmem>>
        %dma_start3A_323 = tpu.memref_slice %arg6[%add3A_318] : memref<25600xi32, #tpu.memory_space<vmem>> -> memref<72xi32, #tpu.memory_space<vmem>>
        %dma_start3A_324 = arith.constant 0 : i32
        %dma_start3A_325 = arith.constant 0 : i32
        %dma_start3A_326 = tpu.memref_slice %arg3[%dma_start3A_324, %dma_start3A_325] : memref<1000000x64xf32, #tpu.memory_space<hbm>> -> memref<1000000x64xf32, #tpu.memory_space<hbm>>
        %dma_start3A_327 = tpu.memref_slice %arg13[%dma_start3A_319] : memref<4x!tpu.dma_semaphore, #tpu.memory_space<semaphore_mem>> -> memref<1x!tpu.dma_semaphore, #tpu.memory_space<semaphore_mem>>
        %dma_start3A_328 = tpu.memref_squeeze %dma_start3A_327 : memref<1x!tpu.dma_semaphore, #tpu.memory_space<semaphore_mem>> -> memref<!tpu.dma_semaphore, #tpu.memory_space<semaphore_mem>>
        tpu.enqueue_indirect_dma source(%dma_start3A_326 : memref<1000000x64xf32, #tpu.memory_space<hbm>>) target(%dma_start3A_322 : memref<72x64xf32, #tpu.memory_space<vmem>>) offsets(%dma_start3A_323 : memref<72xi32, #tpu.memory_space<vmem>>) semaphore(%dma_start3A_328 : memref<!tpu.dma_semaphore, #tpu.memory_space<semaphore_mem>>) {add = true}
      } else {
      }
    }
    %scan3A_65 = arith.constant 32 : i32
    %dma_wait3A_66 = arith.constant 0 : i32
    %dma_wait3A_67 = arith.constant 0 : i32
    %dma_wait3A_68 = tpu.memref_slice %arg5[%mul3A_2, %dma_wait3A_67] : memref<819200x128xf32, #tpu.memory_space<hbm>> -> memref<200x64xf32, #tpu.memory_space<hbm>>
    %dma_wait3A_69 = tpu.memref_slice %arg14[%dma_wait3A_66] : memref<4x!tpu.dma_semaphore, #tpu.memory_space<semaphore_mem>> -> memref<1x!tpu.dma_semaphore, #tpu.memory_space<semaphore_mem>>
    %dma_wait3A_70 = tpu.memref_squeeze %dma_wait3A_69 : memref<1x!tpu.dma_semaphore, #tpu.memory_space<semaphore_mem>> -> memref<!tpu.dma_semaphore, #tpu.memory_space<semaphore_mem>>
    %dma_wait3A_71 = arith.constant 0 : i32
    %dma_wait3A_72 = tpu.memref_slice %arg5[%mul3A_2, %dma_wait3A_71] : memref<819200x128xf32, #tpu.memory_space<hbm>> -> memref<200x64xf32, #tpu.memory_space<hbm>>
    tpu.wait_dma2 semaphore(%dma_wait3A_70 : memref<!tpu.dma_semaphore, #tpu.memory_space<semaphore_mem>>) src(%arg7 : memref<200x64xf32, #tpu.memory_space<vmem>>) dst(%dma_wait3A_72 : memref<200x64xf32, #tpu.memory_space<hbm>>)
    %dma_wait3A_73 = arith.constant 1 : i32
    %dma_wait3A_74 = arith.constant 0 : i32
    %dma_wait3A_75 = tpu.memref_slice %arg5[%mul3A_2, %dma_wait3A_74] : memref<819200x128xf32, #tpu.memory_space<hbm>> -> memref<200x64xf32, #tpu.memory_space<hbm>>
    %dma_wait3A_76 = tpu.memref_slice %arg14[%dma_wait3A_73] : memref<4x!tpu.dma_semaphore, #tpu.memory_space<semaphore_mem>> -> memref<1x!tpu.dma_semaphore, #tpu.memory_space<semaphore_mem>>
    %dma_wait3A_77 = tpu.memref_squeeze %dma_wait3A_76 : memref<1x!tpu.dma_semaphore, #tpu.memory_space<semaphore_mem>> -> memref<!tpu.dma_semaphore, #tpu.memory_space<semaphore_mem>>
    %dma_wait3A_78 = arith.constant 0 : i32
    %dma_wait3A_79 = tpu.memref_slice %arg5[%mul3A_2, %dma_wait3A_78] : memref<819200x128xf32, #tpu.memory_space<hbm>> -> memref<200x64xf32, #tpu.memory_space<hbm>>
    tpu.wait_dma2 semaphore(%dma_wait3A_77 : memref<!tpu.dma_semaphore, #tpu.memory_space<semaphore_mem>>) src(%arg8 : memref<200x64xf32, #tpu.memory_space<vmem>>) dst(%dma_wait3A_79 : memref<200x64xf32, #tpu.memory_space<hbm>>)
    %dma_wait3A_80 = arith.constant 2 : i32
    %dma_wait3A_81 = arith.constant 0 : i32
    %dma_wait3A_82 = tpu.memref_slice %arg5[%mul3A_2, %dma_wait3A_81] : memref<819200x128xf32, #tpu.memory_space<hbm>> -> memref<200x64xf32, #tpu.memory_space<hbm>>
    %dma_wait3A_83 = tpu.memref_slice %arg14[%dma_wait3A_80] : memref<4x!tpu.dma_semaphore, #tpu.memory_space<semaphore_mem>> -> memref<1x!tpu.dma_semaphore, #tpu.memory_space<semaphore_mem>>
    %dma_wait3A_84 = tpu.memref_squeeze %dma_wait3A_83 : memref<1x!tpu.dma_semaphore, #tpu.memory_space<semaphore_mem>> -> memref<!tpu.dma_semaphore, #tpu.memory_space<semaphore_mem>>
    %dma_wait3A_85 = arith.constant 0 : i32
    %dma_wait3A_86 = tpu.memref_slice %arg5[%mul3A_2, %dma_wait3A_85] : memref<819200x128xf32, #tpu.memory_space<hbm>> -> memref<200x64xf32, #tpu.memory_space<hbm>>
    tpu.wait_dma2 semaphore(%dma_wait3A_84 : memref<!tpu.dma_semaphore, #tpu.memory_space<semaphore_mem>>) src(%arg9 : memref<200x64xf32, #tpu.memory_space<vmem>>) dst(%dma_wait3A_86 : memref<200x64xf32, #tpu.memory_space<hbm>>)
    %dma_wait3A_87 = arith.constant 3 : i32
    %dma_wait3A_88 = arith.constant 0 : i32
    %dma_wait3A_89 = tpu.memref_slice %arg5[%mul3A_2, %dma_wait3A_88] : memref<819200x128xf32, #tpu.memory_space<hbm>> -> memref<200x64xf32, #tpu.memory_space<hbm>>
    %dma_wait3A_90 = tpu.memref_slice %arg14[%dma_wait3A_87] : memref<4x!tpu.dma_semaphore, #tpu.memory_space<semaphore_mem>> -> memref<1x!tpu.dma_semaphore, #tpu.memory_space<semaphore_mem>>
    %dma_wait3A_91 = tpu.memref_squeeze %dma_wait3A_90 : memref<1x!tpu.dma_semaphore, #tpu.memory_space<semaphore_mem>> -> memref<!tpu.dma_semaphore, #tpu.memory_space<semaphore_mem>>
    %dma_wait3A_92 = arith.constant 0 : i32
    %dma_wait3A_93 = tpu.memref_slice %arg5[%mul3A_2, %dma_wait3A_92] : memref<819200x128xf32, #tpu.memory_space<hbm>> -> memref<200x64xf32, #tpu.memory_space<hbm>>
    tpu.wait_dma2 semaphore(%dma_wait3A_91 : memref<!tpu.dma_semaphore, #tpu.memory_space<semaphore_mem>>) src(%arg10 : memref<200x64xf32, #tpu.memory_space<vmem>>) dst(%dma_wait3A_93 : memref<200x64xf32, #tpu.memory_space<hbm>>)
    return
  }
}

</mosaic_0001>

<sc_bundles>
// kernel: kernel.4.cloned.1.call-start
scs
__scs_entry_jumppad:
0x0: {  	(pc) =	sbr.rel $0x88, $3  }
0x1: {  	(tag) =	ssettag $0x0;
	lr =	simm.s32 $0x1  }
0x2: {  	[smem:$0x3F9E] =	sst lr;
	_ =	strace $0xD0000000  }
0x3: {  	_ = 	snop  }
0x4: {  	_ = 	snop  }
0x5: {  	_ = 	snop  }
0x6: {  	_ = 	snop  }
0x7: {  	_ = 	snop  }
__scs_overlays_trampoline_lowered:
0x8: {  	[smem:$0x3FAD] =	sst s0  }
0x9: {  	[smem:$0x3FAE] =	sst s1  }
0xa: {  	[smem:$0x3FAF] =	sst s2  }
0xb: {  	[smem:$0x3FB0] =	sst s3  }
0xc: {  	[smem:$0x3FB1] =	sst s4  }
0xd: {  	[smem:$0x3FB2] =	sst s5  }
0xe: {  	[smem:$0x3FB3] =	sst s6  }
0xf: {  	[smem:$0x3FB4] =	sst s7  }
0x10: {  	[smem:$0x3FB5] =	sst s8  }
0x11: {  	[smem:$0x3FB6] =	sst s9;
	s0 =	simm.s32 @!p0 $0x0  }
0x12: {  	s1 =	sld [smem:$0x3F9C];
	s0 =	simm.s32 @p0 $0x1  }
0x13: {  	[smem:$0x3FB7] =	sst s0;
	s0 =	simm.s32 @!p1 $0x0  }
0x14: {  	s2 =	sld [smem:$0x3F9B];
	s0 =	simm.s32 @p1 $0x1  }
0x15: {  	[smem:$0x3FB8] =	sst s0;
	s0 =	simm.s32 @!p2 $0x0  }
0x16: {  	s3 =	sld [smem:$0x3FDB];
	s0 =	simm.s32 @p2 $0x1  }
0x17: {  	s4 =	simm.s32 $0x1BF5;
	[smem:$0x3FBA] =	sst s0  }
0x18: {  	s0 =	sld [smem:$0x3F9D];
	_ =	swait.ge [sflag:s4], $0x0  }
0x19: {  	s7 =	sld [smem:$0x3F9E]  }
0x1a: {  	s8 =	sadd.s32 $0xFFFFE003, lr  }
0x1b: {  	s9 =	sadd.s32 $0xFFFFFEF7, lr;
	s5 =	simm.s32 $0xFFFFFFFF;
	p2 =	slt.u32 s8, $0xFFFFF086  }
0x1c: {  	p1 =	slt.u32 s9, $0xF7A;
	s5 =	simm.s32 @!p2 $0x0  }
0x1d: {  	s5 =	simm.s32 @p1 $0x1;
	p0 =	seq.s32 s7, s2  }
0x1e: {  	s7 =	smul.u32 @!p0 $0xF7A, s2;
	p2 =	seq.s32 @!p0 s5, $0x0  }
0x1f: {  	s9 =	smul.u32 $0xF7A, s1;
	s8 =	simm.s32 @!p0 $0x1BF5;
	p2 =	por !p2, p0  }
0x20: {  	[sflag:s8] =	ssyncset.s32 @!p0 $0xFFFFF086;
	s6 =	sadd.s32 @!p0 s3, s7;
	s7 =	simm.s32 @!p0 $0x108  }
0x21: {  	s3 =	sadd.s32 s3, s9;
	s6 =	sadd.s32 @!p0 $0x88, s6;
	s7 =	simm.s32 @p2 $0x1082  }
0x22: {  	[simem:s7], [sflag:s8] =	dma.local @!p0 [hbm:s6], $0xF7A  }
0x23: {  	s9 =	sor.u32 $0xD0000000, s2;
	s6 =	simm.s32 $0x108;
	_ =	swait.ge @!p0 [sflag:s8], $0x0  }
0x24: {  	s3 =	sadd.s32 $0x88, s3;
	s6 =	simm.s32 @!p1 $0x1082;
	[sflag:s4] =	ssyncset.s32 $0xFFFFF086  }
0x25: {  	[simem:s6], [sflag:s4] =	dma.local [hbm:s3], $0xF7A  }
0x26: {  	[smem:$0x3F9E] =	sst s1;
	(tag) =	ssettag s2;
	_ =	strace s9  }
0x27: {  	s1 =	sld [smem:$0x3FAE]  }
0x28: {  	s2 =	sld [smem:$0x3FAF]  }
0x29: {  	s4 =	sld [smem:$0x3FB1]  }
0x2a: {  	p0 =	seq.s32 s5, $0x0;
	s5 =	sld [smem:$0x3FB2]  }
0x2b: {  	s6 =	sld [smem:$0x3FB3]  }
0x2c: {  	s7 =	sld [smem:$0x3FB4]  }
0x2d: {  	s3 =	simm.s32 $0x108;
	s8 =	sld [smem:$0x3FB5]  }
0x2e: {  	s3 =	simm.s32 @!p0 $0x1082;
	s9 =	sld [smem:$0x3FB6]  }
0x2f: {  	lr =	sadd.s32 s0, s3;
	s0 =	sld [smem:$0x3FAD]  }
0x30: {  	s3 =	sld [smem:$0x3FB0]  }
0x31: {  	[smem:$0x3FB9] =	sst s10  }
0x32: {  	s10 =	sld [smem:$0x3FB7];
	_ =	sdelay $0x3  }
0x33: {  	p0 =	seq.s32 s10, $0x1;
	s10 =	sld [smem:$0x3FB9];
	_ =	sdelay $0x3  }
0x34: {  	[smem:$0x3FB9] =	sst s10  }
0x35: {  	s10 =	sld [smem:$0x3FB8];
	_ =	sdelay $0x3  }
0x36: {  	p1 =	seq.s32 s10, $0x1;
	s10 =	sld [smem:$0x3FB9];
	_ =	sdelay $0x3  }
0x37: {  	[smem:$0x3FB9] =	sst s10  }
0x38: {  	s10 =	sld [smem:$0x3FBA]  }
0x39: {  	_ = 	snop;
	(pc) =	sbr.ind lr, $3  }
0x3a: {  	_ = 	snop  }
0x3b: {  	_ = 	snop  }
0x3c: {  	p2 =	seq.s32 s10, $0x1;
	s10 =	sld [smem:$0x3FB9]  }
0x3d: {  	_ =	shalt  }
0x3e: {  	_ =	shalt  }
0x3f: {  	_ =	shalt  }
0x40: {  	_ =	shalt  }
0x41: {  	_ =	shalt  }
0x42: {  	_ =	shalt  }
0x43: {  	_ =	shalt  }
0x44: {  	_ =	shalt  }
0x45: {  	_ =	shalt  }
0x46: {  	_ =	shalt  }
0x47: {  	_ =	shalt  }
0x48: {  	_ =	shalt  }
0x49: {  	_ =	shalt  }
0x4a: {  	_ =	shalt  }
0x4b: {  	_ =	shalt  }
0x4c: {  	_ =	shalt  }
0x4d: {  	_ =	shalt  }
0x4e: {  	_ =	shalt  }
0x4f: {  	_ =	shalt  }
0x50: {  	_ =	shalt  }
0x51: {  	_ =	shalt  }
0x52: {  	_ =	shalt  }
0x53: {  	_ =	shalt  }
0x54: {  	_ =	shalt  }
0x55: {  	_ =	shalt  }
0x56: {  	_ =	shalt  }
0x57: {  	_ =	shalt  }
0x58: {  	_ =	shalt  }
0x59: {  	_ =	shalt  }
0x5a: {  	_ =	shalt  }
0x5b: {  	_ =	shalt  }
0x5c: {  	_ =	shalt  }
0x5d: {  	_ =	shalt  }
0x5e: {  	_ =	shalt  }
0x5f: {  	_ =	shalt  }
0x60: {  	_ =	shalt  }
0x61: {  	_ =	shalt  }
0x62: {  	_ =	shalt  }
0x63: {  	_ =	shalt  }
0x64: {  	_ =	shalt  }
0x65: {  	_ =	shalt  }
0x66: {  	_ =	shalt  }
0x67: {  	_ =	shalt  }
0x68: {  	_ =	shalt  }
0x69: {  	_ =	shalt  }
0x6a: {  	_ =	shalt  }
0x6b: {  	_ =	shalt  }
0x6c: {  	_ =	shalt  }
0x6d: {  	_ =	shalt  }
0x6e: {  	_ =	shalt  }
0x6f: {  	_ =	shalt  }
0x70: {  	_ =	shalt  }
0x71: {  	_ =	shalt  }
0x72: {  	_ =	shalt  }
0x73: {  	_ =	shalt  }
0x74: {  	_ =	shalt  }
0x75: {  	_ =	shalt  }
0x76: {  	_ =	shalt  }
0x77: {  	_ =	shalt  }
0x78: {  	_ =	shalt  }
0x79: {  	_ =	shalt  }
0x7a: {  	_ =	shalt  }
0x7b: {  	_ =	shalt  }
0x7c: {  	_ =	shalt  }
0x7d: {  	_ =	shalt  }
0x7e: {  	_ =	shalt  }
0x7f: {  	_ =	shalt  }
0x80: {  	_ =	shalt  }
0x81: {  	_ =	shalt  }
0x82: {  	_ =	shalt  }
0x83: {  	_ =	shalt  }
0x84: {  	_ =	shalt  }
0x85: {  	_ =	shalt  }
0x86: {  	_ =	shalt  }
0x87: {  	_ =	shalt  }
.Lfunc_end0:
.L_simem_size_0:
called_computation.1_lowered:
.L_overlay_start_0:
0x88: {  	s2 =	sld [smem:$0x3FD9]  }
0x89: {  	s3 =	sld [smem:$0x3FFE];
	_ =	sdelay $0x1  }
0x8a: {  	s1 =	srdreg.scid  }
0x8b: {  	s0 =	sand.u32 $0x1, s1  }
0x8c: {  	s17 =	sshll.u32 s0, $0xA;
	s2 =	sadd.s32 s3, s2  }
0x8d: {  	s2 =	sadd.s32 s2, s17  }
0x8e: {  	[smem:$0x3FC5] =	sst s2  }
0x8f: {  	_ = 	snop  }
0x90: {  	s2 =	sld [smem:$0x3FC8];
	(tm) =	ssettm $0x1  }
0x91: {  	s18 =	sld [smem:$0x3FFB];
	_ =	sdelay $0x3  }
0x92: {  	_ =	strace s18  }
0x93: {  	s3 =	sld [smem:$0x3FFC];
	_ =	sdelay $0x3  }
0x94: {  	_ =	strace s3  }
0x95: {  	s3 =	sld [smem:$0x3FFD];
	_ =	sdelay $0x3  }
0x96: {  	_ =	strace s3  }
0x97: {  	_ =	strace $0x8FFFFFFF  }
0x98: {  	s19 =	sld [smem:$0x3FDB];
	_ =	sdelay $0x1  }
0x99: {  	s4 =	simm.s32 $_scs_section_size  }
0x9a: {  	s5 =	simm.s32 $_size__tile_overlayer_lowered;
	s6 =	simm.s32 $_tile_overlayer_lowered  }
0x9b: {  	s22 =	simm.s32 $0x1BFF;
	s21 =	sshll.u32 s6, $0x1;
	s3 =	sadd.s32 s4, s19  }
0x9c: {  	s7 =	simm.s32 $0x0;
	s20 =	sshll.u32 s5, $0x1;
	s5 =	sadd.s32 s21, s3  }
0x9d: {  	[timem:s7], [sflag:s22] =	dma.local [hbm:s5], s20  }
0x9e: {  	_ =	swait.ge [sflag:s22], s20  }
0x9f: {  	s4 =	ssub.s32 $0x0, s20;
	[sflag:s22] =	ssyncset.done $0x0  }
0xa0: {  	[sflag:s22] =	ssyncadd.s32 s4;
	_ =	sdelay $0x1  }
0xa1: {  	s23 =	simm.s32 $0x1B8B  }
0xa2: {  	_ =	swait.ge [sflag:s23], $0x1  }
0xa3: {  	[sflag:s23] =	ssyncset.done $0x0  }
0xa4: {  	s25 =	simm.s32 $0x1B8E;
	s24 =	sld [smem:$0x3FFE];
	[sflag:s23] =	ssyncadd.s32 $0xFFFFFFFF  }
0xa5: {  	s26 =	simm.s32 $execute0_lowered;
	[smem:$0x3FD2] =	sst s25  }
0xa6: {  	s5 =	sshll.u32 s26, $0x1;
	_ =	strace $0x80000046;
	[dreg:$0x1] =	wrdreg $0xFFFFFFFF  }
0xa7: {  	s28 =	simm.s32 $_size_execute0_lowered;
	s3 =	sadd.s32 s3, s5;
	[dreg:$0x0] =	wrdreg $0x0  }
0xa8: {  	s5 =	sshll.u32 s28, $0x1;
	[dreg:$0x2] =	wrdreg s3  }
0xa9: {  	[dreg:$0x3] =	wrdreg s5  }
0xaa: {  	[dreg:$0x4] =	wrdreg $0xC0  }
0xab: {  	_ =	task [dreg:s7], $0x5FFFF  }
0xac: {  	[dreg:$0x1] =	wrdreg $0xFFFFFFFF  }
0xad: {  	[dreg:$0x0] =	wrdreg $0x60  }
0xae: {  	[dreg:$0x2] =	wrdreg s2  }
0xaf: {  	[dreg:$0x3] =	wrdreg s24  }
0xb0: {  	[dreg:$0x4] =	wrdreg $0x9  }
0xb1: {  	_ =	task.clear_ibuf [dreg:s7], $0x5FFFF;
	_ =	strace $0x90000046  }
0xb2: {  	s29 =	simm.s32 $0x9;
	_ =	strace $0x80000048  }
0xb3: {  	_ =	swait.ge [sflag:s29], $0x1  }
0xb4: {  	[sflag:s29] =	ssyncadd.s32 $0xFFFFFFFF  }
0xb5: {  	_ =	strace $0x90000048  }
0xb6: {  	_ =	sfence  }
0xb7: {  	s30 =	sld [smem:$0x0];
	_ =	sdelay $0x2  }
0xb8: {  	s31 =	sshll.u32 s1, $0xD;
	s1 =	sshrl.u32 s1, $0x2  }
0xb9: {  	s3 =	sand.u32 $0x4000, s31;
	s1 =	sadd.s32 s1, s30  }
0xba: {  	s0 =	sor.u32 s3, s0;
	s1 =	sshll.u32 s1, $0x11  }
0xbb: {  	s0 =	sor.u32 s1, s0  }
0xbc: {  	s0 =	sadd.s32 $0x8F2B, s0  }
0xbd: {  	[sflag:s0] =	ssyncadd.remote.s32 $0x1  }
0xbe: {  	_ =	sfence.sel $0xFFFF  }
0xbf: {  	[dreg:$0x0] =	wrdreg $0xFFFFFFFF;
	(pc) =	sbr.abs _section_cstart, $3  }
0xc0: {  	[dreg:$0x1] =	wrdreg $0xFFFFFFFF  }
0xc1: {  	_ =	task.clear_ibuf [dreg:s7], $0x2FFFF;
	_ =	strace $0x9FFFFFFF  }
0xc2: {  	(tm) =	ssettm $0x7FFFFFFF  }
0xc3: {  	_ =	shalt  }
tec
execute0_lowered:
.L_overlay_start_1:
0x0: {  	(tag) =	ssettag $0x1  }
0x1: {  	s8 =	rddreg [dreg:$0x0]  }
0x2: {  	s4 =	rddreg [dreg:$0x1]  }
0x3: {  	s0 =	rddreg [dreg:$0x2]  }
0x4: {  	s2 =	simm.s32 $0x0;
	s3 =	srdreg.scid;
	s1 =	stileid.u32  }
0x5: {  	s14 =	simm.s32 $0x4;
	s15 =	simm.s32 $0x2000;
	s16 =	simm.s32 $0x6000  }
0x6: {  	s17 =	simm.s32 $0x3;
	s18 =	simm.s32 $0x5;
	s19 =	simm.s32 $0x4000  }
0x7: {  	s20 =	simm.s32 $0x1;
	s21 =	simm.s32 $0x0;
	[smem:$0x7FF] =	sst s2  }
0x8: {  	s5 =	sand.u32 $0x1, s3;
	s7 =	sshll.u32 s1, $0x1;
	s3 =	sadd.s32 $0x1000, s4  }
0x9: {  	s10 =	sadd.s32 $0x1200, s4;
	s4 =	sadd.s32 $0x7A2200, s4;
	p1 =	sgt.u32 s1, $0x1  }
0xa: {  	_ =	strace $0x80000047;
	s6 =	ssub.s32 $0x2, s5;
	s11 =	sor.u32 s5, s7  }
0xb: {  	s9 =	sshrl.u32 s6, $0x1;
	s5 =	sshll.u32 s11, $0x7;
	s31 =	sor.u32 $0x1E80, s11  }
.Ltmp0:
0xc: {  	s7 =	sshll.u32 s11, $0xA;
	p0 =	sne.s32 s11, $0x1F;
	(pc) =	sbr.rel .LBB2_1-.Ltmp0, $4  }
0xd: {  	v0 =	vlaneseq.u32;
	s11 =	simm.s32 $0x400;
	s12 =	ssub.s32 s6, s9;
	s5 =	sadd.s32 s8, s5  }
0xe: {  	v0 =	vmul.u32 $0x80, v0;
	s13 =	sshll.u32 s31, $0x7;
	s7 =	sadd.s32 s10, s7;
	s9 =	sshll.u32 s31, $0xA  }
0xf: {  	s6 =	sadd.s32 $0x1000, s5;
	s8 =	sadd.s32 s8, s13;
	s9 =	sadd.s32 s10, s9  }
0x10: {  	v1 =	vor.u32 $0x800, v0;
	v2 =	vor.u32 $0x1000, v0;
	v3 =	vor.u32 $0x1800, v0;
	s10 =	smax.u32 s12, $0x1;
	s12 =	simm.s32 $0x7A1400;
	s13 =	simm.s32 $0x2  }
.LBB2_14:
0x11: {  	s21 =	sadd.s32 $0x1, s21  }
0x12: {  	p2 =	sne.s32 s21, s10  }
.Ltmp1:
0x13: {  	_ = 	snop;
	(pc) =	sbr.rel @!p2 .LBB2_15-.Ltmp1, $1  }
0x14: {  	_ =	sdelay $0x3  }
.LBB2_1:
0x15: {  	s22 =	simm.s32 @!p0 $0x0;
	s23 =	simm.s32 @!p0 $0x6000;
	s24 =	simm.s32 @!p0 $0x5  }
0x16: {  	[tilespmem:s23], [sflag:$0x5] =	stream.linear.gather @!p0 [hbm4b:s3+s22], $0x1000, $0x38;
	[tilespmem:$0x8000] =	vst v63  }
0x17: {  	_ =	swait.ge @!p0 [sflag:s24], $0x1000  }
0x18: {  	[sflag:s24] =	ssyncset.done @!p0 $0x0  }
0x19: {  	[sflag:s24] =	ssyncadd.s32 @!p0 $0xFFFFF000  }
0x1a: {  	[hbm4b:s4+s22] =	stream.linear.scatter @!p0 [tilespmem:s23], [sflag:$0x5], $0x1000, $0x38;
	[tilespmem:$0x8000] =	vst v63  }
.Ltmp2:
0x1b: {  	_ = 	snop;
	(pc) =	sbr.rel .LBB2_2-.Ltmp2, $4  }
0x1c: {  	_ =	swait.ge @!p0 [sflag:s24], $0x1000  }
0x1d: {  	[sflag:s24] =	ssyncset.done @!p0 $0x0  }
0x1e: {  	s22 =	simm.s32 $0x0;
	[sflag:s24] =	ssyncadd.s32 @!p0 $0xFFFFF000  }
0x1f: {  	[tilespmem:s2], [sflag:$0x1] =	stream.strided.gather [hbm4b:s5+s11], $0x2000, s12, s11, $0x38;
	[tilespmem:$0x8000] =	vst v63  }
.LBB2_5:
0x20: {  	_ =	sdelay $0x1  }
0x21: {  	v6 =	vand.u32 $0x7E, v6  }
0x22: {  	[tilespmem:s23+$0x20] =	vst v5;
	v5 =	vbroadcast v6, $0x0  }
0x23: {  	v4 =	vld.idx.msk [tilespmem:v4+s2+$0x0], $0xffff  }
0x24: {  	v6 =	vor.u32 v0, v5;
	_ =	sdelay $0x3  }
0x25: {  	[tilespmem:s23+$0x30] =	vst v4  }
0x26: {  	v4 =	vld.idx.msk [tilespmem:v6+s2+$0x0], $0xffff  }
0x27: {  	v59 =	vor.u32 v1, v5;
	_ =	sdelay $0x2  }
0x28: {  	s29 =	sadd.s32 $0x80, s23  }
0x29: {  	[tilespmem:s29+$0xFFFFFFC0] =	vst v4  }
0x2a: {  	v4 =	vld.idx.msk [tilespmem:v59+s2+$0x0], $0xffff  }
0x2b: {  	v60 =	vor.u32 v2, v5;
	_ =	sdelay $0x3  }
0x2c: {  	[tilespmem:s29+$0xFFFFFFD0] =	vst v4  }
0x2d: {  	v4 =	vld.idx.msk [tilespmem:v60+s2+$0x0], $0xffff  }
0x2e: {  	v5 =	vor.u32 v3, v5  }
0x2f: {  	s24 =	sadd.s32 $0x1, s24  }
0x30: {  	v61 =	vmov s24  }
0x31: {  	v6 =	vand.u32 $0x7F, v61  }
0x32: {  	[tilespmem:s29+$0xFFFFFFE0] =	vst v4;
	v4 =	vbroadcast v6, $0x0  }
0x33: {  	v5 =	vld.idx.msk [tilespmem:v5+s2+$0x0], $0xffff  }
0x34: {  	v6 =	vor.u32 v0, v4;
	_ =	sdelay $0x3  }
0x35: {  	[tilespmem:s29+$0xFFFFFFF0] =	vst v5  }
0x36: {  	v5 =	vld.idx.msk [tilespmem:v6+s2+$0x0], $0xffff  }
0x37: {  	v62 =	vor.u32 v1, v4;
	_ =	sdelay $0x3  }
0x38: {  	[tilespmem:s29+$0x0] =	vst v5  }
0x39: {  	v5 =	vld.idx.msk [tilespmem:v62+s2+$0x0], $0xffff  }
0x3a: {  	v63 =	vor.u32 v2, v4;
	_ =	sdelay $0x3  }
0x3b: {  	[tilespmem:s29+$0x10] =	vst v5  }
0x3c: {  	v5 =	vld.idx.msk [tilespmem:v63+s2+$0x0], $0xffff  }
0x3d: {  	v4 =	vor.u32 v3, v4;
	_ =	sdelay $0x3  }
0x3e: {  	[tilespmem:s29+$0x20] =	vst v5  }
0x3f: {  	v4 =	vld.idx.msk [tilespmem:v4+s2+$0x0], $0xffff;
	_ =	sdelay $0x3  }
0x40: {  	s30 =	sshll.u32 s22, $0xF  }
0x41: {  	s31 =	sadd.s32 s30, s7;
	[tilespmem:s29+$0x30] =	vst v4  }
0x42: {  	[hbm4b:s31+s2] =	stream.linear.scatter [tilespmem:s19], [sflag:$0x3], $0x2000, $0x38;
	[tilespmem:$0x8000] =	vst v63  }
.LBB2_9:
0x43: {  	s22 =	sadd.s32 $0x1, s22  }
0x44: {  	p2 =	sne.s32 s22, $0xF4  }
.Ltmp3:
0x45: {  	_ = 	snop;
	(pc) =	sbr.rel @!p2 .LBB2_10-.Ltmp3, $1  }
0x46: {  	_ =	sdelay $0x3  }
.LBB2_2:
0x47: {  	s23 =	sand.u32 $0x1, s22  }
0x48: {  	p2 =	seq.s32 s23, $0x1  }
.Ltmp4:
0x49: {  	_ = 	snop;
	(pc) =	sbr.rel @!p2 .LBB2_3-.Ltmp4, $1  }
0x4a: {  	_ =	sdelay $0x3  }
0x4b: {  	s30 =	simm.s32 $0x0  }
0x4c: {  	_ =	swait.ge [sflag:s13], $0x2000;
	p2 =	seq.s32 s22, $0xF3;
	v4 =	vmov s30  }
0x4d: {  	[sflag:s13] =	ssyncset.done $0x0;
	s23 =	sshll.u32 @!p2 s22, $0xC;
	v4 =	vand.u32 $0x7E, v4  }
0x4e: {  	s24 =	simm.s32 @!p2 $0x400;
	s25 =	simm.s32 @!p2 $0x7A1400;
	s26 =	simm.s32 @!p2 $0x0;
	v4 =	vbroadcast v4, $0x0  }
0x4f: {  	p3 =	slt.u32 @!p2 s22, $0x2;
	[sflag:s13] =	ssyncadd.s32 $0xFFFFE000;
	s23 =	sadd.s32 @!p2 s23, s6  }
0x50: {  	[tilespmem:s26], [sflag:$0x1] =	stream.strided.gather @!p2 [hbm4b:s23+s24], $0x2000, s25, s24, $0x38;
	v5 =	vor.u32 v0, v4;
	[tilespmem:$0x8000] =	vst v63  }
0x51: {  	p2 =	por p2, !p3  }
0x52: {  	_ =	swait.ge @p2 [sflag:s14], $0x2000  }
0x53: {  	[sflag:s14] =	ssyncset.done @p2 $0x0  }
0x54: {  	[sflag:s14] =	ssyncadd.s32 @p2 $0xFFFFE000  }
0x55: {  	v5 =	vld.idx.msk [tilespmem:v5+s15+$0x0], $0xffff  }
0x56: {  	v6 =	vor.u32 v1, v4;
	_ =	sdelay $0x2  }
0x57: {  	s23 =	simm.s32 $0x6040  }
0x58: {  	[tilespmem:s23+$0xFFFFFFC0] =	vst v5  }
0x59: {  	v5 =	vld.idx.msk [tilespmem:v6+s15+$0x0], $0xffff  }
0x5a: {  	v6 =	vor.u32 v2, v4;
	_ =	sdelay $0x3  }
0x5b: {  	[tilespmem:s23+$0xFFFFFFD0] =	vst v5  }
0x5c: {  	v5 =	vld.idx.msk [tilespmem:v6+s15+$0x0], $0xffff  }
0x5d: {  	v4 =	vor.u32 v3, v4  }
0x5e: {  	s31 =	simm.s32 $0x1  }
0x5f: {  	v6 =	vmov s31  }
0x60: {  	v6 =	vand.u32 $0x7F, v6  }
0x61: {  	v6 =	vbroadcast v6, $0x0;
	[tilespmem:s23+$0xFFFFFFE0] =	vst v5  }
0x62: {  	v4 =	vld.idx.msk [tilespmem:v4+s15+$0x0], $0xffff  }
0x63: {  	v5 =	vor.u32 v0, v6;
	_ =	sdelay $0x3  }
0x64: {  	[tilespmem:s23+$0xFFFFFFF0] =	vst v4  }
0x65: {  	v4 =	vld.idx.msk [tilespmem:v5+s15+$0x0], $0xffff  }
0x66: {  	v5 =	vor.u32 v1, v6;
	_ =	sdelay $0x3  }
0x67: {  	[tilespmem:s23+$0x0] =	vst v4  }
0x68: {  	v4 =	vld.idx.msk [tilespmem:v5+s15+$0x0], $0xffff  }
0x69: {  	v5 =	vor.u32 v2, v6;
	_ =	sdelay $0x3  }
0x6a: {  	[tilespmem:s23+$0x10] =	vst v4  }
0x6b: {  	v5 =	vld.idx.msk [tilespmem:v5+s15+$0x0], $0xffff  }
0x6c: {  	v4 =	vor.u32 v3, v6;
	_ =	sdelay $0x1  }
0x6d: {  	s24 =	simm.s32 $0x2  }
0x6e: {  	s25 =	simm.s32 $0x4;
	v6 =	vmov s24  }
.LBB2_7:
0x6f: {  	p2 =	sne.s32 s25, $0x7E;
	v6 =	vand.u32 $0x7E, v6;
	[tilespmem:s23+$0x20] =	vst v5  }
0x70: {  	v5 =	vbroadcast v6, $0x0;
	v4 =	vld.idx.msk [tilespmem:v4+s15+$0x0], $0xffff;
	_ =	sdelay $0x1  }
0x71: {  	v6 =	vor.u32 v0, v5;
	_ =	sdelay $0x3  }
0x72: {  	[tilespmem:s23+$0x30] =	vst v4  }
0x73: {  	v4 =	vld.idx.msk [tilespmem:v6+s15+$0x0], $0xffff;
	_ =	sdelay $0x1  }
0x74: {  	v6 =	vor.u32 v1, v5;
	_ =	sdelay $0x2  }
0x75: {  	s23 =	sadd.s32 $0x80, s23  }
0x76: {  	[tilespmem:s23+$0xFFFFFFC0] =	vst v4  }
0x77: {  	v4 =	vld.idx.msk [tilespmem:v6+s15+$0x0], $0xffff;
	_ =	sdelay $0x1  }
0x78: {  	v6 =	vor.u32 v2, v5;
	_ =	sdelay $0x3  }
0x79: {  	[tilespmem:s23+$0xFFFFFFD0] =	vst v4  }
0x7a: {  	v4 =	vld.idx.msk [tilespmem:v6+s15+$0x0], $0xffff;
	_ =	sdelay $0x1  }
0x7b: {  	v5 =	vor.u32 v3, v5;
	_ =	sdelay $0x1  }
0x7c: {  	s26 =	sadd.s32 $0x1, s24;
	s24 =	smov.u32 s25  }
0x7d: {  	v6 =	vmov s26  }
0x7e: {  	[tilespmem:s23+$0xFFFFFFE0] =	vst v4;
	v4 =	vand.u32 $0x7F, v6  }
0x7f: {  	v5 =	vld.idx.msk [tilespmem:v5+s15+$0x0], $0xffff;
	v4 =	vbroadcast v4, $0x0;
	_ =	sdelay $0x1  }
0x80: {  	v6 =	vor.u32 v0, v4;
	_ =	sdelay $0x3  }
0x81: {  	[tilespmem:s23+$0xFFFFFFF0] =	vst v5  }
0x82: {  	v5 =	vld.idx.msk [tilespmem:v6+s15+$0x0], $0xffff;
	_ =	sdelay $0x1  }
0x83: {  	v6 =	vor.u32 v1, v4;
	_ =	sdelay $0x3  }
0x84: {  	[tilespmem:s23+$0x0] =	vst v5  }
0x85: {  	v5 =	vld.idx.msk [tilespmem:v6+s15+$0x0], $0xffff;
	_ =	sdelay $0x1  }
0x86: {  	v6 =	vor.u32 v2, v4;
	_ =	sdelay $0x3  }
0x87: {  	[tilespmem:s23+$0x10] =	vst v5  }
0x88: {  	v5 =	vld.idx.msk [tilespmem:v6+s15+$0x0], $0xffff  }
.Ltmp5:
0x89: {  	(pc) =	sbr.rel @p2 .LBB2_7-.Ltmp5, $2  }
0x8a: {  	v4 =	vor.u32 v3, v4;
	_ =	sdelay $0x2  }
0x8b: {  	s25 =	sadd.s32 $0x2, s25;
	v6 =	vmov s24  }
0x8c: {  	_ =	sdelay $0x1  }
0x8d: {  	v6 =	vand.u32 $0x7E, v6  }
0x8e: {  	[tilespmem:s23+$0x20] =	vst v5;
	v5 =	vbroadcast v6, $0x0  }
0x8f: {  	v4 =	vld.idx.msk [tilespmem:v4+s15+$0x0], $0xffff  }
0x90: {  	v6 =	vor.u32 v0, v5;
	_ =	sdelay $0x3  }
0x91: {  	[tilespmem:s23+$0x30] =	vst v4  }
0x92: {  	v4 =	vld.idx.msk [tilespmem:v6+s15+$0x0], $0xffff  }
0x93: {  	v59 =	vor.u32 v1, v5;
	_ =	sdelay $0x2  }
0x94: {  	s29 =	sadd.s32 $0x80, s23  }
0x95: {  	[tilespmem:s29+$0xFFFFFFC0] =	vst v4  }
0x96: {  	v4 =	vld.idx.msk [tilespmem:v59+s15+$0x0], $0xffff  }
0x97: {  	v60 =	vor.u32 v2, v5;
	_ =	sdelay $0x3  }
0x98: {  	[tilespmem:s29+$0xFFFFFFD0] =	vst v4  }
0x99: {  	v4 =	vld.idx.msk [tilespmem:v60+s15+$0x0], $0xffff  }
0x9a: {  	v5 =	vor.u32 v3, v5  }
0x9b: {  	s24 =	sadd.s32 $0x1, s24  }
0x9c: {  	v61 =	vmov s24  }
0x9d: {  	v6 =	vand.u32 $0x7F, v61  }
0x9e: {  	[tilespmem:s29+$0xFFFFFFE0] =	vst v4;
	v4 =	vbroadcast v6, $0x0  }
0x9f: {  	v5 =	vld.idx.msk [tilespmem:v5+s15+$0x0], $0xffff  }
0xa0: {  	v6 =	vor.u32 v0, v4;
	_ =	sdelay $0x3  }
0xa1: {  	[tilespmem:s29+$0xFFFFFFF0] =	vst v5  }
0xa2: {  	v5 =	vld.idx.msk [tilespmem:v6+s15+$0x0], $0xffff  }
0xa3: {  	v62 =	vor.u32 v1, v4;
	_ =	sdelay $0x3  }
0xa4: {  	[tilespmem:s29+$0x0] =	vst v5  }
0xa5: {  	v5 =	vld.idx.msk [tilespmem:v62+s15+$0x0], $0xffff  }
0xa6: {  	v63 =	vor.u32 v2, v4;
	_ =	sdelay $0x3  }
0xa7: {  	[tilespmem:s29+$0x10] =	vst v5  }
0xa8: {  	v5 =	vld.idx.msk [tilespmem:v63+s15+$0x0], $0xffff  }
0xa9: {  	v4 =	vor.u32 v3, v4;
	_ =	sdelay $0x3  }
0xaa: {  	[tilespmem:s29+$0x20] =	vst v5  }
0xab: {  	v4 =	vld.idx.msk [tilespmem:v4+s15+$0x0], $0xffff;
	_ =	sdelay $0x1  }
.Ltmp6:
0xac: {  	_ = 	snop;
	(pc) =	sbr.rel .LBB2_9-.Ltmp6, $4  }
0xad: {  	_ = 	snop  }
0xae: {  	s30 =	sshll.u32 s22, $0xF  }
0xaf: {  	s31 =	sadd.s32 s30, s7;
	[tilespmem:s29+$0x30] =	vst v4  }
0xb0: {  	[hbm4b:s31+s2] =	stream.linear.scatter [tilespmem:s16], [sflag:$0x4], $0x2000, $0x38;
	[tilespmem:$0x8000] =	vst v63  }
.LBB2_3:
0xb1: {  	s23 =	simm.s32 $0x0  }
0xb2: {  	v4 =	vmov s23  }
0xb3: {  	_ =	swait.ge [sflag:s20], $0x2000;
	v4 =	vand.u32 $0x7E, v4  }
0xb4: {  	s31 =	sshll.u32 s22, $0xC;
	[sflag:s20] =	ssyncset.done $0x0;
	v4 =	vbroadcast v4, $0x0  }
0xb5: {  	p2 =	slt.u32 s22, $0x2;
	s23 =	sadd.s32 s31, s6;
	[sflag:s20] =	ssyncadd.s32 $0xFFFFE000  }
0xb6: {  	[tilespmem:s15], [sflag:$0x2] =	stream.strided.gather [hbm4b:s23+s11], $0x2000, s12, s11, $0x38;
	v5 =	vor.u32 v0, v4;
	[tilespmem:$0x8000] =	vst v63  }
0xb7: {  	s23 =	simm.s32 @!p2 $0x3  }
0xb8: {  	_ =	swait.ge @!p2 [sflag:s23], $0x2000  }
0xb9: {  	[sflag:s23] =	ssyncset.done @!p2 $0x0  }
0xba: {  	[sflag:s23] =	ssyncadd.s32 @!p2 $0xFFFFE000  }
0xbb: {  	v5 =	vld.idx.msk [tilespmem:v5+s2+$0x0], $0xffff  }
0xbc: {  	v6 =	vor.u32 v1, v4;
	_ =	sdelay $0x2  }
0xbd: {  	s23 =	simm.s32 $0x4040  }
0xbe: {  	[tilespmem:s23+$0xFFFFFFC0] =	vst v5  }
0xbf: {  	v5 =	vld.idx.msk [tilespmem:v6+s2+$0x0], $0xffff  }
0xc0: {  	v6 =	vor.u32 v2, v4;
	_ =	sdelay $0x3  }
0xc1: {  	[tilespmem:s23+$0xFFFFFFD0] =	vst v5  }
0xc2: {  	v5 =	vld.idx.msk [tilespmem:v6+s2+$0x0], $0xffff  }
0xc3: {  	v4 =	vor.u32 v3, v4  }
0xc4: {  	s24 =	simm.s32 $0x1  }
0xc5: {  	v6 =	vmov s24  }
0xc6: {  	v6 =	vand.u32 $0x7F, v6  }
0xc7: {  	v6 =	vbroadcast v6, $0x0;
	[tilespmem:s23+$0xFFFFFFE0] =	vst v5  }
0xc8: {  	v4 =	vld.idx.msk [tilespmem:v4+s2+$0x0], $0xffff  }
0xc9: {  	v5 =	vor.u32 v0, v6;
	_ =	sdelay $0x3  }
0xca: {  	[tilespmem:s23+$0xFFFFFFF0] =	vst v4  }
0xcb: {  	v4 =	vld.idx.msk [tilespmem:v5+s2+$0x0], $0xffff  }
0xcc: {  	v5 =	vor.u32 v1, v6;
	_ =	sdelay $0x3  }
0xcd: {  	[tilespmem:s23+$0x0] =	vst v4  }
0xce: {  	v4 =	vld.idx.msk [tilespmem:v5+s2+$0x0], $0xffff  }
0xcf: {  	v5 =	vor.u32 v2, v6;
	_ =	sdelay $0x3  }
0xd0: {  	[tilespmem:s23+$0x10] =	vst v4  }
0xd1: {  	v5 =	vld.idx.msk [tilespmem:v5+s2+$0x0], $0xffff  }
0xd2: {  	v4 =	vor.u32 v3, v6;
	_ =	sdelay $0x1  }
0xd3: {  	s24 =	simm.s32 $0x2  }
0xd4: {  	s25 =	simm.s32 $0x4;
	v6 =	vmov s24  }
.LBB2_4:
0xd5: {  	p2 =	sne.s32 s25, $0x7E;
	v6 =	vand.u32 $0x7E, v6;
	[tilespmem:s23+$0x20] =	vst v5  }
0xd6: {  	v5 =	vbroadcast v6, $0x0;
	v4 =	vld.idx.msk [tilespmem:v4+s2+$0x0], $0xffff;
	_ =	sdelay $0x1  }
0xd7: {  	v6 =	vor.u32 v0, v5;
	_ =	sdelay $0x3  }
0xd8: {  	[tilespmem:s23+$0x30] =	vst v4  }
0xd9: {  	v4 =	vld.idx.msk [tilespmem:v6+s2+$0x0], $0xffff;
	_ =	sdelay $0x1  }
0xda: {  	v6 =	vor.u32 v1, v5;
	_ =	sdelay $0x2  }
0xdb: {  	s23 =	sadd.s32 $0x80, s23  }
0xdc: {  	[tilespmem:s23+$0xFFFFFFC0] =	vst v4  }
0xdd: {  	v4 =	vld.idx.msk [tilespmem:v6+s2+$0x0], $0xffff;
	_ =	sdelay $0x1  }
0xde: {  	v6 =	vor.u32 v2, v5;
	_ =	sdelay $0x3  }
0xdf: {  	[tilespmem:s23+$0xFFFFFFD0] =	vst v4  }
0xe0: {  	v4 =	vld.idx.msk [tilespmem:v6+s2+$0x0], $0xffff;
	_ =	sdelay $0x1  }
0xe1: {  	v5 =	vor.u32 v3, v5;
	_ =	sdelay $0x1  }
0xe2: {  	s26 =	sadd.s32 $0x1, s24;
	s24 =	smov.u32 s25  }
0xe3: {  	v6 =	vmov s26  }
0xe4: {  	[tilespmem:s23+$0xFFFFFFE0] =	vst v4;
	v4 =	vand.u32 $0x7F, v6  }
0xe5: {  	v5 =	vld.idx.msk [tilespmem:v5+s2+$0x0], $0xffff;
	v4 =	vbroadcast v4, $0x0;
	_ =	sdelay $0x1  }
0xe6: {  	v6 =	vor.u32 v0, v4;
	_ =	sdelay $0x3  }
0xe7: {  	[tilespmem:s23+$0xFFFFFFF0] =	vst v5  }
0xe8: {  	v5 =	vld.idx.msk [tilespmem:v6+s2+$0x0], $0xffff;
	_ =	sdelay $0x1  }
0xe9: {  	v6 =	vor.u32 v1, v4;
	_ =	sdelay $0x3  }
0xea: {  	[tilespmem:s23+$0x0] =	vst v5  }
0xeb: {  	v5 =	vld.idx.msk [tilespmem:v6+s2+$0x0], $0xffff;
	_ =	sdelay $0x1  }
0xec: {  	v6 =	vor.u32 v2, v4;
	_ =	sdelay $0x3  }
0xed: {  	[tilespmem:s23+$0x10] =	vst v5  }
0xee: {  	v5 =	vld.idx.msk [tilespmem:v6+s2+$0x0], $0xffff  }
.Ltmp7:
0xef: {  	(pc) =	sbr.rel @p2 .LBB2_4-.Ltmp7, $2  }
0xf0: {  	v4 =	vor.u32 v3, v4;
	_ =	sdelay $0x2  }
0xf1: {  	s25 =	sadd.s32 $0x2, s25;
	v6 =	vmov s24  }
.Ltmp8:
0xf2: {  	_ = 	snop;
	(pc) =	sbr.rel .LBB2_5-.Ltmp8, $1  }
0xf3: {  	_ =	sdelay $0x3  }
.LBB2_10:
0xf4: {  	_ =	swait.ge [sflag:s17], $0x2000  }
.Ltmp9:
0xf5: {  	[sflag:s17] =	ssyncset.done $0x0;
	(pc) =	sbr.rel @p1 .LBB2_14-.Ltmp9, $4  }
0xf6: {  	[sflag:s17] =	ssyncadd.s32 $0xFFFFE000  }
0xf7: {  	_ =	swait.ge [sflag:s14], $0x2000  }
0xf8: {  	[sflag:s14] =	ssyncset.done $0x0  }
0xf9: {  	[sflag:s14] =	ssyncadd.s32 $0xFFFFE000  }
0xfa: {  	s22 =	simm.s32 $0x0  }
0xfb: {  	v4 =	vmov s22  }
0xfc: {  	v4 =	vand.u32 $0x7E, v4  }
0xfd: {  	v4 =	vbroadcast v4, $0x0;
	_ =	sdelay $0x1  }
0xfe: {  	v5 =	vor.u32 v0, v4  }
0xff: {  	[tilespmem:s22], [sflag:$0x5] =	stream.strided.gather [hbm4b:s8+s11], $0x2000, s12, s11, $0x38;
	[tilespmem:$0x8000] =	vst v63  }
0x100: {  	_ =	swait.ge [sflag:s18], $0x2000  }
0x101: {  	[sflag:s18] =	ssyncset.done $0x0  }
0x102: {  	[sflag:s18] =	ssyncadd.s32 $0xFFFFE000  }
0x103: {  	v5 =	vld.idx.msk [tilespmem:v5+s2+$0x0], $0xffff  }
0x104: {  	v6 =	vor.u32 v1, v4;
	_ =	sdelay $0x2  }
0x105: {  	s22 =	simm.s32 $0x4040  }
0x106: {  	[tilespmem:s22+$0xFFFFFFC0] =	vst v5  }
0x107: {  	v5 =	vld.idx.msk [tilespmem:v6+s2+$0x0], $0xffff  }
0x108: {  	v6 =	vor.u32 v2, v4;
	_ =	sdelay $0x3  }
0x109: {  	[tilespmem:s22+$0xFFFFFFD0] =	vst v5  }
0x10a: {  	v5 =	vld.idx.msk [tilespmem:v6+s2+$0x0], $0xffff  }
0x10b: {  	v4 =	vor.u32 v3, v4  }
0x10c: {  	s23 =	simm.s32 $0x1  }
0x10d: {  	v6 =	vmov s23  }
0x10e: {  	v6 =	vand.u32 $0x7F, v6  }
0x10f: {  	v6 =	vbroadcast v6, $0x0;
	[tilespmem:s22+$0xFFFFFFE0] =	vst v5  }
0x110: {  	v4 =	vld.idx.msk [tilespmem:v4+s2+$0x0], $0xffff  }
0x111: {  	v5 =	vor.u32 v0, v6;
	_ =	sdelay $0x3  }
0x112: {  	[tilespmem:s22+$0xFFFFFFF0] =	vst v4  }
0x113: {  	v4 =	vld.idx.msk [tilespmem:v5+s2+$0x0], $0xffff  }
0x114: {  	v5 =	vor.u32 v1, v6;
	_ =	sdelay $0x3  }
0x115: {  	[tilespmem:s22+$0x0] =	vst v4  }
0x116: {  	v4 =	vld.idx.msk [tilespmem:v5+s2+$0x0], $0xffff  }
0x117: {  	v5 =	vor.u32 v2, v6;
	_ =	sdelay $0x3  }
0x118: {  	[tilespmem:s22+$0x10] =	vst v4  }
0x119: {  	v5 =	vld.idx.msk [tilespmem:v5+s2+$0x0], $0xffff  }
0x11a: {  	v4 =	vor.u32 v3, v6;
	_ =	sdelay $0x1  }
0x11b: {  	s23 =	simm.s32 $0x2  }
0x11c: {  	s24 =	simm.s32 $0x4;
	v6 =	vmov s23  }
.LBB2_12:
0x11d: {  	p2 =	sne.s32 s24, $0x7E;
	v6 =	vand.u32 $0x7E, v6;
	[tilespmem:s22+$0x20] =	vst v5  }
0x11e: {  	v5 =	vbroadcast v6, $0x0;
	v4 =	vld.idx.msk [tilespmem:v4+s2+$0x0], $0xffff;
	_ =	sdelay $0x1  }
0x11f: {  	v6 =	vor.u32 v0, v5;
	_ =	sdelay $0x3  }
0x120: {  	[tilespmem:s22+$0x30] =	vst v4  }
0x121: {  	v4 =	vld.idx.msk [tilespmem:v6+s2+$0x0], $0xffff;
	_ =	sdelay $0x1  }
0x122: {  	v6 =	vor.u32 v1, v5;
	_ =	sdelay $0x2  }
0x123: {  	s22 =	sadd.s32 $0x80, s22  }
0x124: {  	[tilespmem:s22+$0xFFFFFFC0] =	vst v4  }
0x125: {  	v4 =	vld.idx.msk [tilespmem:v6+s2+$0x0], $0xffff;
	_ =	sdelay $0x1  }
0x126: {  	v6 =	vor.u32 v2, v5;
	_ =	sdelay $0x3  }
0x127: {  	[tilespmem:s22+$0xFFFFFFD0] =	vst v4  }
0x128: {  	v4 =	vld.idx.msk [tilespmem:v6+s2+$0x0], $0xffff;
	_ =	sdelay $0x1  }
0x129: {  	v5 =	vor.u32 v3, v5;
	_ =	sdelay $0x1  }
0x12a: {  	s25 =	sadd.s32 $0x1, s23;
	s23 =	smov.u32 s24  }
0x12b: {  	v6 =	vmov s25  }
0x12c: {  	[tilespmem:s22+$0xFFFFFFE0] =	vst v4;
	v4 =	vand.u32 $0x7F, v6  }
0x12d: {  	v5 =	vld.idx.msk [tilespmem:v5+s2+$0x0], $0xffff;
	v4 =	vbroadcast v4, $0x0;
	_ =	sdelay $0x1  }
0x12e: {  	v6 =	vor.u32 v0, v4;
	_ =	sdelay $0x3  }
0x12f: {  	[tilespmem:s22+$0xFFFFFFF0] =	vst v5  }
0x130: {  	v5 =	vld.idx.msk [tilespmem:v6+s2+$0x0], $0xffff;
	_ =	sdelay $0x1  }
0x131: {  	v6 =	vor.u32 v1, v4;
	_ =	sdelay $0x3  }
0x132: {  	[tilespmem:s22+$0x0] =	vst v5  }
0x133: {  	v5 =	vld.idx.msk [tilespmem:v6+s2+$0x0], $0xffff;
	_ =	sdelay $0x1  }
0x134: {  	v6 =	vor.u32 v2, v4;
	_ =	sdelay $0x3  }
0x135: {  	[tilespmem:s22+$0x10] =	vst v5  }
0x136: {  	v5 =	vld.idx.msk [tilespmem:v6+s2+$0x0], $0xffff  }
.Ltmp10:
0x137: {  	(pc) =	sbr.rel @p2 .LBB2_12-.Ltmp10, $2  }
0x138: {  	v4 =	vor.u32 v3, v4;
	_ =	sdelay $0x2  }
0x139: {  	s24 =	sadd.s32 $0x2, s24;
	v6 =	vmov s23  }
0x13a: {  	_ =	sdelay $0x1  }
0x13b: {  	v6 =	vand.u32 $0x7E, v6  }
0x13c: {  	[tilespmem:s22+$0x20] =	vst v5;
	v5 =	vbroadcast v6, $0x0  }
0x13d: {  	v4 =	vld.idx.msk [tilespmem:v4+s2+$0x0], $0xffff  }
0x13e: {  	v6 =	vor.u32 v0, v5;
	_ =	sdelay $0x3  }
0x13f: {  	[tilespmem:s22+$0x30] =	vst v4  }
0x140: {  	v4 =	vld.idx.msk [tilespmem:v6+s2+$0x0], $0xffff  }
0x141: {  	v59 =	vor.u32 v1, v5;
	_ =	sdelay $0x2  }
0x142: {  	s31 =	sadd.s32 $0x80, s22  }
0x143: {  	[tilespmem:s31+$0xFFFFFFC0] =	vst v4  }
0x144: {  	v4 =	vld.idx.msk [tilespmem:v59+s2+$0x0], $0xffff  }
0x145: {  	v60 =	vor.u32 v2, v5;
	_ =	sdelay $0x3  }
0x146: {  	[tilespmem:s31+$0xFFFFFFD0] =	vst v4  }
0x147: {  	v4 =	vld.idx.msk [tilespmem:v60+s2+$0x0], $0xffff  }
0x148: {  	v5 =	vor.u32 v3, v5  }
0x149: {  	s23 =	sadd.s32 $0x1, s23  }
0x14a: {  	v61 =	vmov s23  }
0x14b: {  	v6 =	vand.u32 $0x7F, v61  }
0x14c: {  	[tilespmem:s31+$0xFFFFFFE0] =	vst v4;
	v4 =	vbroadcast v6, $0x0  }
0x14d: {  	v5 =	vld.idx.msk [tilespmem:v5+s2+$0x0], $0xffff  }
0x14e: {  	v6 =	vor.u32 v0, v4;
	_ =	sdelay $0x3  }
0x14f: {  	[tilespmem:s31+$0xFFFFFFF0] =	vst v5  }
0x150: {  	v5 =	vld.idx.msk [tilespmem:v6+s2+$0x0], $0xffff  }
0x151: {  	v62 =	vor.u32 v1, v4;
	_ =	sdelay $0x3  }
0x152: {  	[tilespmem:s31+$0x0] =	vst v5  }
0x153: {  	v5 =	vld.idx.msk [tilespmem:v62+s2+$0x0], $0xffff  }
0x154: {  	v63 =	vor.u32 v2, v4;
	_ =	sdelay $0x3  }
0x155: {  	[tilespmem:s31+$0x10] =	vst v5  }
0x156: {  	v5 =	vld.idx.msk [tilespmem:v63+s2+$0x0], $0xffff  }
0x157: {  	v4 =	vor.u32 v3, v4;
	_ =	sdelay $0x3  }
0x158: {  	[tilespmem:s31+$0x20] =	vst v5  }
0x159: {  	v4 =	vld.idx.msk [tilespmem:v4+s2+$0x0], $0xffff;
	_ =	sdelay $0x4  }
.Ltmp11:
0x15a: {  	[tilespmem:s31+$0x30] =	vst v4;
	(pc) =	sbr.rel .LBB2_14-.Ltmp11, $4  }
0x15b: {  	[hbm4b:s9+s2] =	stream.linear.scatter [tilespmem:s19], [sflag:$0x5], $0x2000, $0x38;
	[tilespmem:$0x8000] =	vst v63  }
0x15c: {  	_ =	swait.ge [sflag:s18], $0x2000  }
0x15d: {  	[sflag:s18] =	ssyncset.done $0x0  }
0x15e: {  	[sflag:s18] =	ssyncadd.s32 $0xFFFFE000  }
.LBB2_15:
0x15f: {  	_ =	sfence.sel $0x180000  }
0x160: {  	[bflag:$0x0] =	sbarrier.arrive $0xFFFF  }
0x161: {  	p0 =	sne.s32 s1, $0x0;
	_ =	strace $0x90000047  }
0x162: {  	s0 =	sadd.s32 @!p0 $0x100000, s0;
	[bflag:$0x2] =	sbarrier.arrive $0xFFFF  }
0x163: {  	[sflag:s0] =	ssyncadd.tile.s32 @!p0 $0x1;
	_ =	shalt  }
.Lfunc_end2:
_tile_overlayer_lowered:
.L_overlay_start_2:
0x164: {  	(tag) =	ssettag $0x2  }
0x165: {  	s0 =	rddreg [dreg:$0x0];
	s2 =	stileid.u32  }
0x166: {  	s1 =	rddreg [dreg:$0x1];
	p0 =	sne.s32 s2, $0x0  }
0x167: {  	s3 =	rddreg [dreg:$0x2];
	[bflag:$0x3] =	sbarrier.arrive $0xFFFF;
	s2 =	simm.s32 @!p0 $0x1C05  }
0x168: {  	[timem:s3], [sflag:s2] =	dma.local @!p0 [hbm:s0], s1  }
0x169: {  	s0 =	simm.s32 @!p0 $0x5  }
0x16a: {  	_ =	swait.ge @!p0 [sflag:s0], s1  }
0x16b: {  	s1 =	ssub.s32 @!p0 $0x0, s1;
	[sflag:s0] =	ssyncset.done @!p0 $0x0  }
0x16c: {  	[sflag:s0] =	ssyncadd.s32 @!p0 s1  }
0x16d: {  	[bflag:$0x3] =	sbarrier.arrive $0xFFFF  }
0x16e: {  	_ =	shalt  }

// kernel: kernel.7.cloned.1.call-start
scs
__scs_entry_jumppad:
0x0: {  	(pc) =	sbr.rel $0x88, $3  }
0x1: {  	(tag) =	ssettag $0x0;
	lr =	simm.s32 $0x1  }
0x2: {  	[smem:$0x3F9E] =	sst lr;
	_ =	strace $0xD0000000  }
0x3: {  	_ = 	snop  }
0x4: {  	_ = 	snop  }
0x5: {  	_ = 	snop  }
0x6: {  	_ = 	snop  }
0x7: {  	_ = 	snop  }
__scs_overlays_trampoline_lowered:
0x8: {  	[smem:$0x3FAD] =	sst s0  }
0x9: {  	[smem:$0x3FAE] =	sst s1  }
0xa: {  	[smem:$0x3FAF] =	sst s2  }
0xb: {  	[smem:$0x3FB0] =	sst s3  }
0xc: {  	[smem:$0x3FB1] =	sst s4  }
0xd: {  	[smem:$0x3FB2] =	sst s5  }
0xe: {  	[smem:$0x3FB3] =	sst s6  }
0xf: {  	[smem:$0x3FB4] =	sst s7  }
0x10: {  	[smem:$0x3FB5] =	sst s8  }
0x11: {  	[smem:$0x3FB6] =	sst s9;
	s0 =	simm.s32 @!p0 $0x0  }
0x12: {  	s1 =	sld [smem:$0x3F9C];
	s0 =	simm.s32 @p0 $0x1  }
0x13: {  	[smem:$0x3FB7] =	sst s0;
	s0 =	simm.s32 @!p1 $0x0  }
0x14: {  	s2 =	sld [smem:$0x3F9B];
	s0 =	simm.s32 @p1 $0x1  }
0x15: {  	[smem:$0x3FB8] =	sst s0;
	s0 =	simm.s32 @!p2 $0x0  }
0x16: {  	s3 =	sld [smem:$0x3FDB];
	s0 =	simm.s32 @p2 $0x1  }
0x17: {  	s4 =	simm.s32 $0x1BF5;
	[smem:$0x3FBA] =	sst s0  }
0x18: {  	s0 =	sld [smem:$0x3F9D];
	_ =	swait.ge [sflag:s4], $0x0  }
0x19: {  	s7 =	sld [smem:$0x3F9E]  }
0x1a: {  	s8 =	sadd.s32 $0xFFFFE003, lr  }
0x1b: {  	s9 =	sadd.s32 $0xFFFFFEF7, lr;
	s5 =	simm.s32 $0xFFFFFFFF;
	p2 =	slt.u32 s8, $0xFFFFF086  }
0x1c: {  	p1 =	slt.u32 s9, $0xF7A;
	s5 =	simm.s32 @!p2 $0x0  }
0x1d: {  	s5 =	simm.s32 @p1 $0x1;
	p0 =	seq.s32 s7, s2  }
0x1e: {  	s7 =	smul.u32 @!p0 $0xF7A, s2;
	p2 =	seq.s32 @!p0 s5, $0x0  }
0x1f: {  	s9 =	smul.u32 $0xF7A, s1;
	s8 =	simm.s32 @!p0 $0x1BF5;
	p2 =	por !p2, p0  }
0x20: {  	[sflag:s8] =	ssyncset.s32 @!p0 $0xFFFFF086;
	s6 =	sadd.s32 @!p0 s3, s7;
	s7 =	simm.s32 @!p0 $0x108  }
0x21: {  	s3 =	sadd.s32 s3, s9;
	s6 =	sadd.s32 @!p0 $0x88, s6;
	s7 =	simm.s32 @p2 $0x1082  }
0x22: {  	[simem:s7], [sflag:s8] =	dma.local @!p0 [hbm:s6], $0xF7A  }
0x23: {  	s9 =	sor.u32 $0xD0000000, s2;
	s6 =	simm.s32 $0x108;
	_ =	swait.ge @!p0 [sflag:s8], $0x0  }
0x24: {  	s3 =	sadd.s32 $0x88, s3;
	s6 =	simm.s32 @!p1 $0x1082;
	[sflag:s4] =	ssyncset.s32 $0xFFFFF086  }
0x25: {  	[simem:s6], [sflag:s4] =	dma.local [hbm:s3], $0xF7A  }
0x26: {  	[smem:$0x3F9E] =	sst s1;
	(tag) =	ssettag s2;
	_ =	strace s9  }
0x27: {  	s1 =	sld [smem:$0x3FAE]  }
0x28: {  	s2 =	sld [smem:$0x3FAF]  }
0x29: {  	s4 =	sld [smem:$0x3FB1]  }
0x2a: {  	p0 =	seq.s32 s5, $0x0;
	s5 =	sld [smem:$0x3FB2]  }
0x2b: {  	s6 =	sld [smem:$0x3FB3]  }
0x2c: {  	s7 =	sld [smem:$0x3FB4]  }
0x2d: {  	s3 =	simm.s32 $0x108;
	s8 =	sld [smem:$0x3FB5]  }
0x2e: {  	s3 =	simm.s32 @!p0 $0x1082;
	s9 =	sld [smem:$0x3FB6]  }
0x2f: {  	lr =	sadd.s32 s0, s3;
	s0 =	sld [smem:$0x3FAD]  }
0x30: {  	s3 =	sld [smem:$0x3FB0]  }
0x31: {  	[smem:$0x3FB9] =	sst s10  }
0x32: {  	s10 =	sld [smem:$0x3FB7];
	_ =	sdelay $0x3  }
0x33: {  	p0 =	seq.s32 s10, $0x1;
	s10 =	sld [smem:$0x3FB9];
	_ =	sdelay $0x3  }
0x34: {  	[smem:$0x3FB9] =	sst s10  }
0x35: {  	s10 =	sld [smem:$0x3FB8];
	_ =	sdelay $0x3  }
0x36: {  	p1 =	seq.s32 s10, $0x1;
	s10 =	sld [smem:$0x3FB9];
	_ =	sdelay $0x3  }
0x37: {  	[smem:$0x3FB9] =	sst s10  }
0x38: {  	s10 =	sld [smem:$0x3FBA]  }
0x39: {  	_ = 	snop;
	(pc) =	sbr.ind lr, $3  }
0x3a: {  	_ = 	snop  }
0x3b: {  	_ = 	snop  }
0x3c: {  	p2 =	seq.s32 s10, $0x1;
	s10 =	sld [smem:$0x3FB9]  }
0x3d: {  	_ =	shalt  }
0x3e: {  	_ =	shalt  }
0x3f: {  	_ =	shalt  }
0x40: {  	_ =	shalt  }
0x41: {  	_ =	shalt  }
0x42: {  	_ =	shalt  }
0x43: {  	_ =	shalt  }
0x44: {  	_ =	shalt  }
0x45: {  	_ =	shalt  }
0x46: {  	_ =	shalt  }
0x47: {  	_ =	shalt  }
0x48: {  	_ =	shalt  }
0x49: {  	_ =	shalt  }
0x4a: {  	_ =	shalt  }
0x4b: {  	_ =	shalt  }
0x4c: {  	_ =	shalt  }
0x4d: {  	_ =	shalt  }
0x4e: {  	_ =	shalt  }
0x4f: {  	_ =	shalt  }
0x50: {  	_ =	shalt  }
0x51: {  	_ =	shalt  }
0x52: {  	_ =	shalt  }
0x53: {  	_ =	shalt  }
0x54: {  	_ =	shalt  }
0x55: {  	_ =	shalt  }
0x56: {  	_ =	shalt  }
0x57: {  	_ =	shalt  }
0x58: {  	_ =	shalt  }
0x59: {  	_ =	shalt  }
0x5a: {  	_ =	shalt  }
0x5b: {  	_ =	shalt  }
0x5c: {  	_ =	shalt  }
0x5d: {  	_ =	shalt  }
0x5e: {  	_ =	shalt  }
0x5f: {  	_ =	shalt  }
0x60: {  	_ =	shalt  }
0x61: {  	_ =	shalt  }
0x62: {  	_ =	shalt  }
0x63: {  	_ =	shalt  }
0x64: {  	_ =	shalt  }
0x65: {  	_ =	shalt  }
0x66: {  	_ =	shalt  }
0x67: {  	_ =	shalt  }
0x68: {  	_ =	shalt  }
0x69: {  	_ =	shalt  }
0x6a: {  	_ =	shalt  }
0x6b: {  	_ =	shalt  }
0x6c: {  	_ =	shalt  }
0x6d: {  	_ =	shalt  }
0x6e: {  	_ =	shalt  }
0x6f: {  	_ =	shalt  }
0x70: {  	_ =	shalt  }
0x71: {  	_ =	shalt  }
0x72: {  	_ =	shalt  }
0x73: {  	_ =	shalt  }
0x74: {  	_ =	shalt  }
0x75: {  	_ =	shalt  }
0x76: {  	_ =	shalt  }
0x77: {  	_ =	shalt  }
0x78: {  	_ =	shalt  }
0x79: {  	_ =	shalt  }
0x7a: {  	_ =	shalt  }
0x7b: {  	_ =	shalt  }
0x7c: {  	_ =	shalt  }
0x7d: {  	_ =	shalt  }
0x7e: {  	_ =	shalt  }
0x7f: {  	_ =	shalt  }
0x80: {  	_ =	shalt  }
0x81: {  	_ =	shalt  }
0x82: {  	_ =	shalt  }
0x83: {  	_ =	shalt  }
0x84: {  	_ =	shalt  }
0x85: {  	_ =	shalt  }
0x86: {  	_ =	shalt  }
0x87: {  	_ =	shalt  }
.Lfunc_end0:
.L_simem_size_0:
called_computation.2_lowered:
.L_overlay_start_0:
0x88: {  	s2 =	sld [smem:$0x3FD9]  }
0x89: {  	s3 =	sld [smem:$0x3FFE];
	_ =	sdelay $0x1  }
0x8a: {  	s1 =	srdreg.scid  }
0x8b: {  	s0 =	sand.u32 $0x1, s1  }
0x8c: {  	s17 =	sshll.u32 s0, $0xA;
	s2 =	sadd.s32 s3, s2  }
0x8d: {  	s2 =	sadd.s32 s2, s17  }
0x8e: {  	[smem:$0x3FC5] =	sst s2  }
0x8f: {  	_ = 	snop  }
0x90: {  	s2 =	sld [smem:$0x3FD0];
	(tm) =	ssettm $0x1  }
0x91: {  	s18 =	sld [smem:$0x3FFB];
	_ =	sdelay $0x3  }
0x92: {  	_ =	strace s18  }
0x93: {  	s3 =	sld [smem:$0x3FFC];
	_ =	sdelay $0x3  }
0x94: {  	_ =	strace s3  }
0x95: {  	s3 =	sld [smem:$0x3FFD];
	_ =	sdelay $0x3  }
0x96: {  	_ =	strace s3  }
0x97: {  	_ =	strace $0x8FFFFFFF  }
0x98: {  	s19 =	sld [smem:$0x3FDB];
	_ =	sdelay $0x1  }
0x99: {  	s4 =	simm.s32 $_scs_section_size  }
0x9a: {  	s5 =	simm.s32 $_size__tile_overlayer_lowered;
	s6 =	simm.s32 $_tile_overlayer_lowered  }
0x9b: {  	s22 =	simm.s32 $0x1BFF;
	s21 =	sshll.u32 s6, $0x1;
	s3 =	sadd.s32 s4, s19  }
0x9c: {  	s7 =	simm.s32 $0x0;
	s20 =	sshll.u32 s5, $0x1;
	s5 =	sadd.s32 s21, s3  }
0x9d: {  	[timem:s7], [sflag:s22] =	dma.local [hbm:s5], s20  }
0x9e: {  	_ =	swait.ge [sflag:s22], s20  }
0x9f: {  	s4 =	ssub.s32 $0x0, s20;
	[sflag:s22] =	ssyncset.done $0x0  }
0xa0: {  	[sflag:s22] =	ssyncadd.s32 s4;
	_ =	sdelay $0x1  }
0xa1: {  	s23 =	simm.s32 $0x1B8B  }
0xa2: {  	_ =	swait.ge [sflag:s23], $0x1  }
0xa3: {  	[sflag:s23] =	ssyncset.done $0x0  }
0xa4: {  	s25 =	simm.s32 $0x1B8E;
	s24 =	sld [smem:$0x3FFE];
	[sflag:s23] =	ssyncadd.s32 $0xFFFFFFFF  }
0xa5: {  	s26 =	simm.s32 $execute0_lowered;
	[smem:$0x3FD2] =	sst s25  }
0xa6: {  	s5 =	sshll.u32 s26, $0x1;
	_ =	strace $0x80000049;
	[dreg:$0x1] =	wrdreg $0xFFFFFFFF  }
0xa7: {  	s28 =	simm.s32 $_size_execute0_lowered;
	s3 =	sadd.s32 s3, s5;
	[dreg:$0x0] =	wrdreg $0x0  }
0xa8: {  	s5 =	sshll.u32 s28, $0x1;
	[dreg:$0x2] =	wrdreg s3  }
0xa9: {  	[dreg:$0x3] =	wrdreg s5  }
0xaa: {  	[dreg:$0x4] =	wrdreg $0xC0  }
0xab: {  	_ =	task [dreg:s7], $0x5FFFF  }
0xac: {  	[dreg:$0x1] =	wrdreg $0xFFFFFFFF  }
0xad: {  	[dreg:$0x0] =	wrdreg $0x60  }
0xae: {  	[dreg:$0x2] =	wrdreg s2  }
0xaf: {  	[dreg:$0x3] =	wrdreg s24  }
0xb0: {  	[dreg:$0x4] =	wrdreg $0x12C000  }
0xb1: {  	[dreg:$0x5] =	wrdreg $0x9  }
0xb2: {  	_ =	task.clear_ibuf [dreg:s7], $0x6FFFF;
	_ =	strace $0x90000049  }
0xb3: {  	s29 =	simm.s32 $0x9;
	_ =	strace $0x8000004B  }
0xb4: {  	_ =	swait.ge [sflag:s29], $0x1  }
0xb5: {  	[sflag:s29] =	ssyncadd.s32 $0xFFFFFFFF  }
0xb6: {  	_ =	strace $0x9000004B  }
0xb7: {  	_ =	sfence  }
0xb8: {  	s30 =	sld [smem:$0x0];
	_ =	sdelay $0x2  }
0xb9: {  	s31 =	sshll.u32 s1, $0xD;
	s1 =	sshrl.u32 s1, $0x2  }
0xba: {  	s3 =	sand.u32 $0x4000, s31;
	s1 =	sadd.s32 s1, s30  }
0xbb: {  	s0 =	sor.u32 s3, s0;
	s1 =	sshll.u32 s1, $0x11  }
0xbc: {  	s0 =	sor.u32 s1, s0  }
0xbd: {  	s0 =	sadd.s32 $0x8F2B, s0  }
0xbe: {  	[sflag:s0] =	ssyncadd.remote.s32 $0x1  }
0xbf: {  	_ =	sfence.sel $0xFFFF  }
0xc0: {  	[dreg:$0x0] =	wrdreg $0xFFFFFFFF;
	(pc) =	sbr.abs _section_cstart, $3  }
0xc1: {  	[dreg:$0x1] =	wrdreg $0xFFFFFFFF  }
0xc2: {  	_ =	task.clear_ibuf [dreg:s7], $0x2FFFF;
	_ =	strace $0x9FFFFFFF  }
0xc3: {  	(tm) =	ssettm $0x7FFFFFFF  }
tec
execute0_lowered:
.L_overlay_start_1:
0x0: {  	(tag) =	ssettag $0x1  }
0x1: {  	s0 =	rddreg [dreg:$0x0]  }
0x2: {  	s2 =	rddreg [dreg:$0x1]  }
0x3: {  	s3 =	srdreg.scid;
	s4 =	stileid.u32  }
0x4: {  	s1 =	rddreg [dreg:$0x2];
	s6 =	simm.s32 $0x0;
	s12 =	simm.s32 $0x6400  }
0x5: {  	s13 =	simm.s32 $0x9600;
	s14 =	simm.s32 $0xC800;
	s16 =	simm.s32 $0x80  }
0x6: {  	s17 =	simm.s32 $0x48;
	s28 =	simm.s32 $0xE800;
	s29 =	simm.s32 $0x6  }
0x7: {  	s30 =	simm.s32 $0x4;
	s31 =	simm.s32 $0x11A00;
	s5 =	sand.u32 $0x1, s3  }
0x8: {  	s18 =	sshll.u32 s4, $0x1;
	[smem:$0x7FF] =	sst s6;
	s7 =	smul.u32 $0xC800, s4  }
0x9: {  	s10 =	sadd.s32 $0x7A2400, s2;
	s22 =	smul.u32 $0xC8000, s4;
	p0 =	sne.s32 s4, $0x0  }
0xa: {  	s3 =	sor.u32 s5, s18;
	_ =	strace $0x8000004A;
	s9 =	smul.u32 $0x6400, s5  }
0xb: {  	s8 =	ssub.s32 $0x2, s5;
	[dreg:$0x4] =	wrdreg s10;
	s5 =	smul.u32 $0x64000, s5  }
0xc: {  	s18 =	simm.s32 $0x8;
	s19 =	smul.u32 $0x6400, s3;
	s20 =	sshrl.u32 s8, $0x1  }
0xd: {  	s3 =	sadd.s32 $0x1200, s2;
	s2 =	sadd.s32 $0x7A2C00, s2;
	s8 =	ssub.s32 s8, s20  }
0xe: {  	s7 =	sadd.s32 s9, s7;
	s6 =	sshrl.u32 s19, $0x3;
	s23 =	smax.u32 s8, $0x1  }
0xf: {  	s21 =	sshll.u32 s7, $0x4;
	s0 =	sadd.s32 s0, s6;
	[dreg:$0x6] =	wrdreg s23  }
0x10: {  	s19 =	simm.s32 $0x2;
	[dreg:$0x5] =	wrdreg s0;
	s0 =	sadd.s32 s21, s2  }
0x11: {  	s23 =	simm.s32 $0x5;
	s2 =	sadd.s32 s22, s2;
	s24 =	sadd.s32 $0x2580, s0  }
.Ltmp0:
0x12: {  	s25 =	sadd.s32 $0x1900, s0;
	[dreg:$0x7] =	wrdreg s24;
	(pc) =	sbr.rel .LBB2_1-.Ltmp0, $4  }
0x13: {  	s22 =	simm.s32 $0xB600;
	s0 =	sadd.s32 $0xC80, s0;
	[dreg:$0x8] =	wrdreg s25  }
0x14: {  	s26 =	sadd.s32 s5, s2;
	s2 =	simm.s32 $0xB;
	[dreg:$0x9] =	wrdreg s0  }
0x15: {  	s5 =	simm.s32 $0x0;
	[dreg:$0xa] =	wrdreg s26;
	s24 =	simm.s32 $0x40  }
0x16: {  	s25 =	simm.s32 $0xFA00;
	s26 =	simm.s32 $0x3;
	s0 =	simm.s32 $0x7  }
.LBB2_4:
0x17: {  	s4 =	simm.s32 $0x9  }
0x18: {  	_ =	swait.ge [sflag:s4], $0x3200  }
0x19: {  	[sflag:s4] =	ssyncset.done $0x0  }
0x1a: {  	s20 =	simm.s32 $0xA;
	[sflag:s4] =	ssyncadd.s32 $0xFFFFCE00  }
0x1b: {  	_ =	swait.ge [sflag:s20], $0x3200  }
0x1c: {  	[sflag:s20] =	ssyncset.done $0x0  }
0x1d: {  	[sflag:s20] =	ssyncadd.s32 $0xFFFFCE00  }
0x1e: {  	_ =	swait.ge [sflag:s2], $0x3200  }
0x1f: {  	[sflag:s2] =	ssyncset.done $0x0  }
0x20: {  	s6 =	simm.s32 $0xC;
	[sflag:s2] =	ssyncadd.s32 $0xFFFFCE00  }
0x21: {  	_ =	swait.ge [sflag:s6], $0x3200  }
0x22: {  	s5 =	sadd.s32 $0x1, s5;
	s21 =	rddreg [dreg:$0x6]  }
0x23: {  	p1 =	sne.s32 s5, s21  }
.Ltmp1:
0x24: {  	_ = 	snop;
	(pc) =	sbr.rel @!p1 .LBB2_5-.Ltmp1, $3  }
0x25: {  	_ =	sdelay $0x1  }
0x26: {  	[sflag:s6] =	ssyncset.done $0x0  }
0x27: {  	[sflag:s6] =	ssyncadd.s32 $0xFFFFCE00  }
.LBB2_1:
0x28: {  	s4 =	simm.s32 $0x0;
	s6 =	rddreg [dreg:$0x5];
	s10 =	simm.s32 $0xD  }
0x29: {  	[tilespmem:s4], [sflag:$0xD] =	stream.linear.gather [hbm4b:s6+s4], $0x6400, $0x38;
	[tilespmem:$0x12F20] =	vst v63  }
0x2a: {  	_ =	swait.ge [sflag:s10], $0x6400  }
0x2b: {  	s7 =	simm.s32 @!p0 $0x6400;
	[sflag:s10] =	ssyncset.done $0x0  }
0x2c: {  	s6 =	simm.s32 @!p0 $0x0;
	s8 =	rddreg [dreg:$0x4];
	[sflag:s10] =	ssyncadd.s32 $0xFFFF9C00  }
0x2d: {  	[tilespmem:s7], [sflag:$0xD] =	stream.linear.gather @!p0 [hbm4b:s8+s6], $0x3200, $0x38;
	[tilespmem:$0x12F20] =	vst v63  }
0x2e: {  	s6 =	simm.s32 @!p0 $0xD  }
0x2f: {  	_ =	swait.ge @!p0 [sflag:s6], $0x3200  }
0x30: {  	[sflag:s6] =	ssyncset.done @!p0 $0x0  }
0x31: {  	[sflag:s6] =	ssyncadd.s32 @!p0 $0xFFFFCE00  }
0x32: {  	[spmem:s1] =	stream.linear.scatter @!p0 [tilespmem:s7], [sflag:$0xD], $0x3200, $0x38;
	[tilespmem:$0x12F20] =	vst v63  }
0x33: {  	_ =	swait.ge @!p0 [sflag:s6], $0x3200  }
0x34: {  	[sflag:s6] =	ssyncset.done @!p0 $0x0  }
0x35: {  	[sflag:s6] =	ssyncadd.s32 @!p0 $0xFFFFCE00  }
0x36: {  	[bflag:$0x0] =	sbarrier.arrive $0xFFFF  }
0x37: {  	[tilespmem:s12], [sflag:$0x1] =	stream.linear.gather [spmem:s1], $0x3200, $0x38;
	[tilespmem:$0x12F20] =	vst v63  }
0x38: {  	_ = 	snop  }
0x39: {  	[tilespmem:s13], [sflag:$0x2] =	stream.linear.gather [spmem:s1], $0x3200, $0x38;
	[tilespmem:$0x12F20] =	vst v63  }
0x3a: {  	s11 =	simm.s32 $0x1  }
0x3b: {  	[tilespmem:s14], [sflag:$0x3] =	stream.linear.gather [spmem:s1], $0x3200, $0x38;
	[tilespmem:$0x12F20] =	vst v63  }
0x3c: {  	_ =	swait.ge [sflag:s11], $0x3200  }
0x3d: {  	[sflag:s11] =	ssyncset.done $0x0  }
0x3e: {  	[sflag:s11] =	ssyncadd.s32 $0xFFFFCE00  }
0x3f: {  	[tilespmem:s12], [sflag:$0x5] =	stream.indirect.gather.add.f32 [hbm:s3], $0x40, s4, s16, $0xb8;
	[tilespmem:$0x12F20] =	vst v63  }
0x40: {  	s15 =	simm.s32 $0x8400  }
0x41: {  	[tilespmem:s15], [sflag:$0x5] =	stream.indirect.gather.add.f32 [hbm:s3], $0x40, s16, s17, $0xb8;
	[tilespmem:$0x12F20] =	vst v63  }
0x42: {  	_ =	swait.ge [sflag:s19], $0x3200  }
0x43: {  	s10 =	rddreg [dreg:$0xa]  }
0x44: {  	[sflag:s19] =	ssyncset.done $0x0;
	s9 =	rddreg [dreg:$0x9]  }
0x45: {  	s20 =	simm.s32 $0xC8;
	s8 =	rddreg [dreg:$0x8];
	[sflag:s19] =	ssyncadd.s32 $0xFFFFCE00  }
0x46: {  	[tilespmem:s13], [sflag:$0x6] =	stream.indirect.gather.add.f32 [hbm:s3], $0x40, s20, s16, $0xb8;
	[tilespmem:$0x12F20] =	vst v63  }
0x47: {  	s21 =	simm.s32 $0x148;
	s6 =	simm.s32 $0x0;
	s7 =	rddreg [dreg:$0x7]  }
0x48: {  	[tilespmem:s22], [sflag:$0x6] =	stream.indirect.gather.add.f32 [hbm:s3], $0x40, s21, s17, $0xb8;
	[tilespmem:$0x12F20] =	vst v63  }
.LBB2_2:
0x49: {  	_ =	swait.ge [sflag:s23], $0x2000  }
0x4a: {  	[sflag:s23] =	ssyncset.done $0x0  }
0x4b: {  	[sflag:s23] =	ssyncadd.s32 $0xFFFFE000  }
0x4c: {  	_ =	swait.ge [sflag:s23], $0x1200  }
0x4d: {  	p1 =	seq.s32 s6, $0x0;
	[sflag:s23] =	ssyncset.done $0x0  }
0x4e: {  	s11 =	simm.s32 @!p1 $0xC;
	[sflag:s23] =	ssyncadd.s32 $0xFFFFEE00  }
0x4f: {  	[hbm4b:s10+s24] =	stream.strided.scatter [tilespmem:s12], [sflag:$0x9], $0x3200, s16, s24, $0x38;
	[tilespmem:$0x12F20] =	vst v63  }
0x50: {  	_ =	swait.ge @!p1 [sflag:s11], $0x3200  }
0x51: {  	[sflag:s11] =	ssyncset.done @!p1 $0x0  }
0x52: {  	[sflag:s11] =	ssyncadd.s32 @!p1 $0xFFFFCE00  }
0x53: {  	[tilespmem:s25], [sflag:$0x4] =	stream.linear.gather [spmem:s1], $0x3200, $0x38;
	[tilespmem:$0x12F20] =	vst v63  }
0x54: {  	_ =	swait.ge [sflag:s26], $0x3200  }
0x55: {  	s11 =	sshra.s32 s6, $0x2;
	[sflag:s26] =	ssyncset.done $0x0  }
0x56: {  	s15 =	sadd.s32 $0x190, s11;
	[sflag:s26] =	ssyncadd.s32 $0xFFFFCE00  }
0x57: {  	[tilespmem:s14], [sflag:$0x7] =	stream.indirect.gather.add.f32 [hbm:s3], $0x40, s15, s16, $0xb8;
	[tilespmem:$0x12F20] =	vst v63  }
0x58: {  	s20 =	sadd.s32 $0x210, s11  }
0x59: {  	[tilespmem:s28], [sflag:$0x7] =	stream.indirect.gather.add.f32 [hbm:s3], $0x40, s20, s17, $0xb8;
	[tilespmem:$0x12F20] =	vst v63  }
0x5a: {  	_ =	swait.ge [sflag:s29], $0x2000  }
0x5b: {  	[sflag:s29] =	ssyncset.done $0x0  }
0x5c: {  	[sflag:s29] =	ssyncadd.s32 $0xFFFFE000  }
0x5d: {  	_ =	swait.ge [sflag:s29], $0x1200  }
0x5e: {  	p1 =	seq.s32 s6, $0x18380;
	[sflag:s29] =	ssyncset.done $0x0  }
0x5f: {  	s15 =	simm.s32 @!p1 $0x9;
	[sflag:s29] =	ssyncadd.s32 $0xFFFFEE00  }
0x60: {  	[hbm4b:s9+s24] =	stream.strided.scatter [tilespmem:s13], [sflag:$0xA], $0x3200, s16, s24, $0x38;
	[tilespmem:$0x12F20] =	vst v63  }
0x61: {  	_ =	swait.ge @!p1 [sflag:s15], $0x3200  }
0x62: {  	[sflag:s15] =	ssyncset.done @!p1 $0x0  }
0x63: {  	[sflag:s15] =	ssyncadd.s32 @!p1 $0xFFFFCE00;
	s15 =	simm.s32 @!p1 $0x6400  }
0x64: {  	[tilespmem:s15], [sflag:$0x1] =	stream.linear.gather @!p1 [spmem:s1], $0x3200, $0x38;
	[tilespmem:$0x12F20] =	vst v63  }
0x65: {  	_ =	swait.ge [sflag:s30], $0x3200  }
0x66: {  	[sflag:s30] =	ssyncset.done $0x0  }
0x67: {  	s20 =	sadd.s32 $0x258, s11;
	[sflag:s30] =	ssyncadd.s32 $0xFFFFCE00  }
0x68: {  	[tilespmem:s25], [sflag:$0x8] =	stream.indirect.gather.add.f32 [hbm:s3], $0x40, s20, s16, $0xb8;
	[tilespmem:$0x12F20] =	vst v63  }
0x69: {  	s21 =	sadd.s32 $0x2D8, s11  }
0x6a: {  	[tilespmem:s31], [sflag:$0x8] =	stream.indirect.gather.add.f32 [hbm:s3], $0x40, s21, s17, $0xb8;
	[tilespmem:$0x12F20] =	vst v63  }
0x6b: {  	_ =	swait.ge [sflag:s0], $0x2000  }
0x6c: {  	[sflag:s0] =	ssyncset.done $0x0  }
0x6d: {  	[sflag:s0] =	ssyncadd.s32 $0xFFFFE000  }
0x6e: {  	_ =	swait.ge [sflag:s0], $0x1200  }
0x6f: {  	[sflag:s0] =	ssyncset.done $0x0  }
0x70: {  	s20 =	simm.s32 @!p1 $0xA;
	[sflag:s0] =	ssyncadd.s32 $0xFFFFEE00  }
0x71: {  	[hbm4b:s8+s24] =	stream.strided.scatter [tilespmem:s14], [sflag:$0xB], $0x3200, s16, s24, $0x38;
	[tilespmem:$0x12F20] =	vst v63  }
0x72: {  	_ =	swait.ge @!p1 [sflag:s20], $0x3200  }
0x73: {  	[sflag:s20] =	ssyncset.done @!p1 $0x0  }
0x74: {  	[sflag:s20] =	ssyncadd.s32 @!p1 $0xFFFFCE00;
	s20 =	simm.s32 @!p1 $0x9600  }
0x75: {  	[tilespmem:s20], [sflag:$0x2] =	stream.linear.gather @!p1 [spmem:s1], $0x3200, $0x38;
	[tilespmem:$0x12F20] =	vst v63  }
0x76: {  	s20 =	simm.s32 @!p1 $0x1  }
0x77: {  	_ =	swait.ge @!p1 [sflag:s20], $0x3200  }
0x78: {  	s21 =	sshra.s32 @!p1 s6, $0x2;
	[sflag:s20] =	ssyncset.done @!p1 $0x0  }
0x79: {  	s4 =	simm.s32 @!p1 $0x80;
	[sflag:s20] =	ssyncadd.s32 @!p1 $0xFFFFCE00;
	s20 =	sadd.s32 @!p1 $0x320, s21  }
0x7a: {  	[tilespmem:s15], [sflag:$0x5] =	stream.indirect.gather.add.f32 @!p1 [hbm:s3], $0x40, s20, s4, $0xb8;
	[tilespmem:$0x12F20] =	vst v63  }
0x7b: {  	s4 =	sadd.s32 @!p1 $0x3A0, s21;
	s15 =	simm.s32 @!p1 $0x48;
	s20 =	simm.s32 @!p1 $0x8400  }
0x7c: {  	[tilespmem:s20], [sflag:$0x5] =	stream.indirect.gather.add.f32 @!p1 [hbm:s3], $0x40, s4, s15, $0xb8;
	[tilespmem:$0x12F20] =	vst v63  }
0x7d: {  	_ =	swait.ge [sflag:s18], $0x2000  }
0x7e: {  	[sflag:s18] =	ssyncset.done $0x0  }
.Ltmp2:
0x7f: {  	[sflag:s18] =	ssyncadd.s32 $0xFFFFE000;
	(pc) =	sbr.rel @p1 .LBB2_4-.Ltmp2, $4  }
0x80: {  	_ =	swait.ge [sflag:s18], $0x1200  }
0x81: {  	[sflag:s18] =	ssyncset.done $0x0  }
0x82: {  	[sflag:s18] =	ssyncadd.s32 $0xFFFFEE00  }
0x83: {  	[hbm4b:s7+s24] =	stream.strided.scatter [tilespmem:s25], [sflag:$0xC], $0x3200, s16, s24, $0x38;
	[tilespmem:$0x12F20] =	vst v63  }
0x84: {  	_ =	swait.ge [sflag:s2], $0x3200  }
0x85: {  	[sflag:s2] =	ssyncset.done $0x0  }
0x86: {  	[sflag:s2] =	ssyncadd.s32 $0xFFFFCE00  }
0x87: {  	[tilespmem:s14], [sflag:$0x3] =	stream.linear.gather [spmem:s1], $0x3200, $0x38;
	[tilespmem:$0x12F20] =	vst v63  }
0x88: {  	s4 =	sadd.s32 $0x3E8, s11;
	_ =	swait.ge [sflag:s19], $0x3200  }
.Ltmp3:
0x89: {  	s21 =	sadd.s32 $0x468, s11;
	[sflag:s19] =	ssyncset.done $0x0;
	(pc) =	sbr.rel .LBB2_2-.Ltmp3, $4  }
0x8a: {  	s6 =	sadd.s32 $0xC80, s6;
	s7 =	sadd.s32 $0x3200, s7;
	[sflag:s19] =	ssyncadd.s32 $0xFFFFCE00  }
0x8b: {  	[tilespmem:s13], [sflag:$0x6] =	stream.indirect.gather.add.f32 [hbm:s3], $0x40, s4, s16, $0xb8;
	[tilespmem:$0x12F20] =	vst v63  }
0x8c: {  	s8 =	sadd.s32 $0x3200, s8;
	s9 =	sadd.s32 $0x3200, s9;
	s10 =	sadd.s32 $0x3200, s10  }
0x8d: {  	[tilespmem:s22], [sflag:$0x6] =	stream.indirect.gather.add.f32 [hbm:s3], $0x40, s21, s17, $0xb8;
	[tilespmem:$0x12F20] =	vst v63  }
.LBB2_5:
0x8e: {  	_ =	sfence.sel $0x180000  }
0x8f: {  	[bflag:$0x0] =	sbarrier.arrive $0xFFFF  }
0x90: {  	_ =	strace $0x9000004A  }
0x91: {  	[bflag:$0x2] =	sbarrier.arrive $0xFFFF  }
0x92: {  	s0 =	rddreg [dreg:$0x3]  }
0x93: {  	s0 =	sadd.s32 @!p0 $0x100000, s0  }
0x94: {  	[sflag:s0] =	ssyncadd.tile.s32 @!p0 $0x1;
	_ =	shalt  }
.Lfunc_end2:
_tile_overlayer_lowered:
.L_overlay_start_2:
0x95: {  	(tag) =	ssettag $0x2  }
0x96: {  	s0 =	rddreg [dreg:$0x0];
	s2 =	stileid.u32  }
0x97: {  	s1 =	rddreg [dreg:$0x1];
	p0 =	sne.s32 s2, $0x0  }
0x98: {  	s3 =	rddreg [dreg:$0x2];
	[bflag:$0x3] =	sbarrier.arrive $0xFFFF;
	s2 =	simm.s32 @!p0 $0x1C0D  }
0x99: {  	[timem:s3], [sflag:s2] =	dma.local @!p0 [hbm:s0], s1  }
0x9a: {  	s0 =	simm.s32 @!p0 $0xD  }
0x9b: {  	_ =	swait.ge @!p0 [sflag:s0], s1  }
0x9c: {  	s1 =	ssub.s32 @!p0 $0x0, s1;
	[sflag:s0] =	ssyncset.done @!p0 $0x0  }
0x9d: {  	[sflag:s0] =	ssyncadd.s32 @!p0 s1  }
0x9e: {  	[bflag:$0x3] =	sbarrier.arrive $0xFFFF  }
0x9f: {  	_ =	shalt  }

// kernel: sparse-core-data-format-call.cloned.1.call-start
scs
called_computation_lowered:
.L_overlay_start_0:
0x0: {  	s2 =	sld [smem:$0x3FD9]  }
0x1: {  	s3 =	sld [smem:$0x3FFE];
	_ =	sdelay $0x1  }
0x2: {  	s1 =	srdreg.scid  }
0x3: {  	s0 =	sand.u32 $0x1, s1  }
0x4: {  	s18 =	sshll.u32 s0, $0xA;
	s2 =	sadd.s32 s3, s2  }
0x5: {  	s2 =	sadd.s32 s2, s18  }
0x6: {  	[smem:$0x3FC5] =	sst s2  }
0x7: {  	_ = 	snop  }
0x8: {  	s2 =	sld [smem:$0x3FD0];
	(tm) =	ssettm $0x1  }
0x9: {  	s19 =	sld [smem:$0x3FFB];
	_ =	sdelay $0x3  }
0xa: {  	_ =	strace s19  }
0xb: {  	s3 =	sld [smem:$0x3FFC];
	_ =	sdelay $0x3  }
0xc: {  	_ =	strace s3  }
0xd: {  	s3 =	sld [smem:$0x3FFD];
	_ =	sdelay $0x3  }
0xe: {  	_ =	strace s3  }
0xf: {  	_ =	strace $0x8FFFFFFF  }
0x10: {  	s20 =	sld [smem:$0x3FDB];
	_ =	sdelay $0x1  }
0x11: {  	s4 =	simm.s32 $_scs_section_size  }
0x12: {  	s5 =	simm.s32 $_size__tile_overlayer_lowered;
	s6 =	simm.s32 $_tile_overlayer_lowered  }
0x13: {  	s23 =	simm.s32 $0x1BFF;
	s22 =	sshll.u32 s6, $0x1;
	s3 =	sadd.s32 s4, s20  }
0x14: {  	s7 =	simm.s32 $0x0;
	s21 =	sshll.u32 s5, $0x1;
	s5 =	sadd.s32 s22, s3  }
0x15: {  	[timem:s7], [sflag:s23] =	dma.local [hbm:s5], s21  }
0x16: {  	_ =	swait.ge [sflag:s23], s21  }
0x17: {  	s4 =	ssub.s32 $0x0, s21;
	[sflag:s23] =	ssyncset.done $0x0  }
0x18: {  	[sflag:s23] =	ssyncadd.s32 s4;
	_ =	sdelay $0x1  }
0x19: {  	s24 =	simm.s32 $0x1B8B  }
0x1a: {  	_ =	swait.ge [sflag:s24], $0x1  }
0x1b: {  	[sflag:s24] =	ssyncset.done $0x0  }
0x1c: {  	s26 =	simm.s32 $0x1B8E;
	s25 =	sld [smem:$0x3FFE];
	[sflag:s24] =	ssyncadd.s32 $0xFFFFFFFF  }
0x1d: {  	s27 =	simm.s32 $execute0_lowered;
	[smem:$0x3FD2] =	sst s26  }
0x1e: {  	s5 =	sshll.u32 s27, $0x1;
	_ =	strace $0x8000004C;
	[dreg:$0x1] =	wrdreg $0xFFFFFFFF  }
0x1f: {  	s28 =	simm.s32 $_size_execute0_lowered;
	s3 =	sadd.s32 s3, s5;
	[dreg:$0x0] =	wrdreg $0x0  }
0x20: {  	s5 =	sshll.u32 s28, $0x1;
	[dreg:$0x2] =	wrdreg s3  }
0x21: {  	[dreg:$0x3] =	wrdreg s5  }
0x22: {  	[dreg:$0x4] =	wrdreg $0xC0  }
0x23: {  	_ =	task [dreg:s7], $0x5FFFF  }
0x24: {  	[dreg:$0x1] =	wrdreg $0xFFFFFFFF  }
0x25: {  	[dreg:$0x0] =	wrdreg $0x60  }
0x26: {  	[dreg:$0x2] =	wrdreg s25  }
0x27: {  	[dreg:$0x3] =	wrdreg s2  }
0x28: {  	[dreg:$0x4] =	wrdreg $0x9  }
0x29: {  	_ =	task.clear_ibuf [dreg:s7], $0x5FFFF;
	_ =	strace $0x9000004C  }
0x2a: {  	s29 =	simm.s32 $0x9;
	_ =	strace $0x8000004E  }
0x2b: {  	_ =	swait.ge [sflag:s29], $0x1  }
0x2c: {  	[sflag:s29] =	ssyncadd.s32 $0xFFFFFFFF  }
0x2d: {  	_ =	strace $0x9000004E  }
0x2e: {  	_ =	sfence  }
0x2f: {  	s30 =	sld [smem:$0x0];
	_ =	sdelay $0x2  }
0x30: {  	s31 =	sshll.u32 s1, $0xD;
	s1 =	sshrl.u32 s1, $0x2  }
0x31: {  	s3 =	sand.u32 $0x4000, s31;
	s1 =	sadd.s32 s1, s30  }
0x32: {  	s0 =	sor.u32 s3, s0;
	s1 =	sshll.u32 s1, $0x11  }
0x33: {  	s0 =	sor.u32 s1, s0  }
0x34: {  	s0 =	sadd.s32 $0x8F2B, s0  }
0x35: {  	[sflag:s0] =	ssyncadd.remote.s32 $0x1  }
0x36: {  	_ =	sfence.sel $0xFFFF  }
0x37: {  	[dreg:$0x0] =	wrdreg $0xFFFFFFFF;
	(pc) =	sbr.abs _section_cstart, $3  }
0x38: {  	[dreg:$0x1] =	wrdreg $0xFFFFFFFF  }
0x39: {  	_ =	task.clear_ibuf [dreg:s7], $0x2FFFF;
	_ =	strace $0x9FFFFFFF  }
0x3a: {  	(tm) =	ssettm $0x7FFFFFFF  }
0x3b: {  	_ =	shalt  }
tec
execute0_lowered:
.L_overlay_start_1:
0x0: {  	(tag) =	ssettag $0x1  }
0x1: {  	s0 =	srdreg.scid  }
0x2: {  	s1 =	sshll.u32 s0, $0x4  }
0x3: {  	s0 =	stileid.u32;
	s1 =	sand.u32 $0x10, s1  }
0x4: {  	s1 =	sor.u32 s0, s1  }
0x5: {  	s6 =	rddreg [dreg:$0x0];
	s4 =	simm.s32 $0x1;
	s2 =	sshll.u32 s1, $0x7  }
0x6: {  	s7 =	simm.s32 $0x2;
	s12 =	simm.s32 $0x0;
	s1 =	ssub.s32 $0x1000, s2  }
0x7: {  	s8 =	simm.s32 $0x8000;
	s13 =	simm.s32 $0x0;
	s3 =	sand.u32 $0xF80, s1  }
0x8: {  	s9 =	simm.s32 $0x0;
	s5 =	sshrl.u32 s1, $0xC;
	p0 =	sne.s32 s3, $0x0  }
.Ltmp0:
0x9: {  	s1 =	rddreg [dreg:$0x2];
	s4 =	simm.s32 @!p0 $0x0;
	(pc) =	sbr.rel .LBB1_1-.Ltmp0, $4  }
0xa: {  	s11 =	simm.s32 $0x0;
	s3 =	rddreg [dreg:$0x1];
	s5 =	sadd.s32 s4, s5  }
0xb: {  	_ =	strace $0x8000004D;
	s4 =	simm.s32 $0x1;
	s5 =	smul.u32 $0xC8, s5  }
0xc: {  	s6 =	sadd.s32 $0x7A2C00, s6;
	s10 =	smov.u32 s2;
	[sflag:s4] =	ssyncpa.u1 $0x0  }
0xd: {  	p0 =	por $0x0, $0x0;
	[sflag:s7] =	ssyncpa.u1 $0x0;
	s7 =	sor.u32 $0x1, s5  }
.LBB1_4:
0xe: {  	s16 =	sshll.u32 s13, $0x3;
	s17 =	sand.u32 $0x78, s13  }
0xf: {  	s30 =	sand.u32 $0x7E00, s13;
	s12 =	sshll.u32 s12, $0xF;
	s16 =	sand.u32 $0xC00, s16  }
0x10: {  	[tilespmem:s15+$0x810 ss:$0x81] =	vst.msk $0xffff, v2;
	s31 =	sand.u32 $0x7, s13;
	s16 =	sor.u32 s17, s16;
	s17 =	sadd.s32 s3, s30  }
0x11: {  	[tilespmem:s15+$0x1020 ss:$0x81] =	vst.msk $0xffff, v0;
	s13 =	sshll.u32 s31, $0x12;
	s12 =	sadd.s32 s12, s17;
	s16 =	sshrl.u32 s16, $0x3  }
0x12: {  	[tilespmem:s15+$0x0 ss:$0x81] =	vst.msk $0xffff, v1;
	s13 =	sor.u32 $0x400, s13;
	s12 =	sadd.s32 s16, s12  }
0x13: {  	[hbm4b:s12+s13] =	stream.strided.scatter [tilespmem:s14], [sflag:$0x2], $0x2000, s8, s13, $0x20;
	[tilespmem:$0x8080] =	vst v63  }
.LBB1_5:
0x14: {  	s14 =	sadd.s32 $0x1, s9  }
0x15: {  	s12 =	sadd.s32 $0x1000, s10;
	s16 =	smov.u32 s10;
	p2 =	sgt.s32 s14, $0xC7  }
0x16: {  	s16 =	smov.u32 @p2 s12  }
0x17: {  	s14 =	simm.s32 @p2 $0x0;
	p2 =	sgt.s32 s16, $0xFFF  }
0x18: {  	s16 =	smov.u32 @p2 s2;
	p2 =	sne.s32 s11, s7  }
.Ltmp1:
0x19: {  	p1 =	slt.u32 s11, $0x2;
	(pc) =	sbr.rel @!p2 .LBB1_6-.Ltmp1, $4  }
0x1a: {  	s15 =	simm.s32 @!p1 $0x2  }
0x1b: {  	s13 =	smov.u32 s10;
	p0 =	por !p0, !p0;
	_ =	swait.ge @!p1 [sflag:s15], $0x2000  }
0x1c: {  	s12 =	smov.u32 s9;
	[sflag:s15] =	ssyncset.done @!p1 $0x0;
	s9 =	smov.u32 s14  }
0x1d: {  	s11 =	sadd.s32 $0x1, s11;
	[sflag:s15] =	ssyncadd.s32 @!p1 $0xFFFFE000;
	s10 =	smov.u32 s16  }
.LBB1_1:
0x1e: {  	p1 =	sge.u32 s11, s5  }
0x1f: {  	s14 =	sand.u32 @!p1 $0x1FFFFFF, s9  }
0x20: {  	s15 =	smulhi.u32 @!p1 $0x147AE15, s14;
	_ =	sdelay $0x1  }
0x21: {  	s15 =	smul.u32 @!p1 $0xC8, s15  }
0x22: {  	s16 =	sxor.u32 @!p1 $0xFFFFFFFF, s11;
	s17 =	smul.u32 @!p1 $0xC80, s10  }
0x23: {  	s31 =	sadd.s32 $0xFFFFFFFF, s11;
	s16 =	sshll.u32 @!p1 s16, $0xD;
	s14 =	ssub.s32 @!p1 s14, s15  }
0x24: {  	s15 =	sand.u32 @!p1 $0x2000, s16;
	s16 =	sadd.s32 @!p1 s6, s17;
	s14 =	sshll.u32 @!p1 s14, $0x4  }
0x25: {  	s17 =	simm.s32 @!p1 $0x6400;
	s14 =	sadd.s32 @!p1 s14, s16;
	s16 =	simm.s32 @!p1 $0x40  }
0x26: {  	[tilespmem:s15], [sflag:$0x1] =	stream.strided.gather @!p1 [hbm4b:s14+s16], $0x2000, s17, s16, $0x38;
	[tilespmem:$0x8080] =	vst v63  }
0x27: {  	p1 =	sge.u32 s31, s5  }
.Ltmp2:
0x28: {  	_ = 	snop;
	(pc) =	sbr.rel @p1 .LBB1_5-.Ltmp2, $1  }
0x29: {  	_ =	sdelay $0x3  }
0x2a: {  	s14 =	simm.s32 $0x1  }
0x2b: {  	_ =	swait.ge [sflag:s4], $0x2000;
	s14 =	simm.s32 @!p0 $0x0  }
0x2c: {  	[sflag:s4] =	ssyncset.done $0x0;
	s15 =	sshll.u32 s14, $0xD  }
0x2d: {  	[sflag:s4] =	ssyncadd.s32 $0xFFFFE000;
	s18 =	sor.u32 $0x20, s15  }
0x2e: {  	s14 =	smul.u32 $0x8100, s14;
	v3 =	vld [tilespmem:s18+$0x10]  }
0x2f: {  	s30 =	sand.u32 $0x1, s11;
	v2 =	vld [tilespmem:s18+$0xFFFFFFF0]  }
0x30: {  	s15 =	smul.u32 $0x8100, s30;
	s14 =	sshrl.u32 s14, $0x2;
	v0 =	vld [tilespmem:s18+$0x0]  }
0x31: {  	v1 =	vld [tilespmem:s18+$0xFFFFFFE0];
	s16 =	sor.u32 $0x4000, s14  }
0x32: {  	s31 =	sshrl.u32 s15, $0x2;
	s15 =	sadd.s32 $0x0, s16  }
0x33: {  	s17 =	simm.s32 $0x4;
	s18 =	sadd.s32 $0x40, s18;
	s14 =	sor.u32 $0x4000, s31;
	[tilespmem:s15+$0x1830 ss:$0x81] =	vst.msk $0xffff, v3  }
.LBB1_3:
0x34: {  	v3 =	vld [tilespmem:s18+$0x10];
	p1 =	sne.s32 s17, $0x1FC;
	[tilespmem:s15+$0x810 ss:$0x81] =	vst.msk $0xffff, v2;
	s19 =	smov.u32 s17;
	s17 =	sadd.s32 $0x4, s17  }
.Ltmp3:
0x35: {  	v2 =	vld [tilespmem:s18+$0xFFFFFFF0];
	[tilespmem:s15+$0x1020 ss:$0x81] =	vst.msk $0xffff, v0;
	(pc) =	sbr.rel @p1 .LBB1_3-.Ltmp3, $4  }
0x36: {  	v0 =	vld [tilespmem:s18+$0x0];
	[tilespmem:s15+$0x0 ss:$0x81] =	vst.msk $0xffff, v1  }
0x37: {  	s15 =	sshra.s32 s19, $0x2;
	v1 =	vld [tilespmem:s18+$0xFFFFFFE0]  }
0x38: {  	s15 =	sadd.s32 s15, s16  }
0x39: {  	s18 =	sadd.s32 $0x40, s18;
	[tilespmem:s15+$0x1830 ss:$0x81] =	vst.msk $0xffff, v3  }
.Ltmp4:
0x3a: {  	_ = 	snop;
	(pc) =	sbr.rel .LBB1_4-.Ltmp4, $1  }
0x3b: {  	_ =	sdelay $0x3  }
.LBB1_6:
0x3c: {  	_ =	sfence.sel $0x180000  }
0x3d: {  	s2 =	simm.s32 $0x1;
	[bflag:$0x0] =	sbarrier.arrive $0xFFFF  }
0x3e: {  	s31 =	simm.s32 $0x2;
	[sflag:s2] =	ssyncpa.u1 $0x1  }
0x3f: {  	[sflag:s31] =	ssyncpa.u1 $0x1  }
0x40: {  	p0 =	sne.s32 s0, $0x0;
	_ =	strace $0x9000004D  }
0x41: {  	s0 =	sadd.s32 @!p0 $0x100000, s1;
	[bflag:$0x2] =	sbarrier.arrive $0xFFFF  }
0x42: {  	[sflag:s0] =	ssyncadd.tile.s32 @!p0 $0x1;
	_ =	shalt  }
.Lfunc_end1:
_tile_overlayer_lowered:
.L_overlay_start_2:
0x43: {  	(tag) =	ssettag $0x2  }
0x44: {  	s0 =	rddreg [dreg:$0x0];
	s2 =	stileid.u32  }
0x45: {  	s1 =	rddreg [dreg:$0x1];
	p0 =	sne.s32 s2, $0x0  }
0x46: {  	s3 =	rddreg [dreg:$0x2];
	[bflag:$0x3] =	sbarrier.arrive $0xFFFF;
	s2 =	simm.s32 @!p0 $0x1C01  }
0x47: {  	[timem:s3], [sflag:s2] =	dma.local @!p0 [hbm:s0], s1  }
0x48: {  	s0 =	simm.s32 @!p0 $0x1  }
0x49: {  	_ =	swait.ge @!p0 [sflag:s0], s1  }
0x4a: {  	s1 =	ssub.s32 @!p0 $0x0, s1;
	[sflag:s0] =	ssyncset.done @!p0 $0x0  }
0x4b: {  	[sflag:s0] =	ssyncadd.s32 @!p0 s1  }
0x4c: {  	[bflag:$0x3] =	sbarrier.arrive $0xFFFF  }
0x4d: {  	_ =	shalt  }

</sc_bundles>
